<compile_context>
chip_gen: v7x
topology: tpu7x:2x2x1
jax: 0.10.2.dev20260603
libtpu: 0.0.44.dev20260713+nightly
codegen_flags: <defaults>
</compile_context>

<pallas_src>
import functools

import jax
import jax.numpy as jnp
from jax import lax
from jax.experimental import pallas as pl
from jax.experimental.pallas import tpu as pltpu
from jax.experimental.pallas import tpu_sc as plsc

EMB = 128
H = 2
HD = 64
N = 10000
E = 160000
G = 16
NPG = N // G
EPG = E // G

NC = 2
NS = 16
CHUNK = 128
N_CHUNKS = E // CHUNK
SC_ITERS = -(-N_CHUNKS // NS)
NPP = 640
N_PAD = G * NPP

B_E = 2000
B_N = 1000

_EPS = 1e-16


def _lrelu(t):
    return jnp.where(t >= 0, t, 0.01 * t)


EH = E // 2
EPW = EH // NS
GFULL = EPW // CHUNK
GTAIL = EPW - GFULL * CHUNK


def _gather_body(x_hbm, row_hbm, col_hbm, out_r, out_c, idx_v, rows_v, sem):
    c = lax.axis_index("c")
    s = lax.axis_index("s")
    base = s * EPW

    def run(side_hbm, out_hbm):
        pltpu.sync_copy(side_hbm.at[pl.ds(base, EPW)], idx_v)

        def step(k, carry):
            off = k * CHUNK
            pltpu.async_copy(x_hbm.at[idx_v.at[pl.ds(off, CHUNK)]], rows_v, sem).wait()
            pltpu.sync_copy(rows_v, out_hbm.at[pl.ds(base + off, CHUNK)])
            return carry

        lax.fori_loop(0, GFULL, step, 0)
        off = GFULL * CHUNK
        pltpu.async_copy(x_hbm.at[idx_v.at[pl.ds(off, GTAIL)]],
                         rows_v.at[pl.ds(0, GTAIL)], sem).wait()
        pltpu.sync_copy(rows_v.at[pl.ds(0, GTAIL)],
                        out_hbm.at[pl.ds(base + off, GTAIL)])

    @pl.when(c == 0)
    def _():
        run(row_hbm, out_r)

    @pl.when(c == 1)
    def _():
        run(col_hbm, out_c)


def _sc_gather(x, edge_index):
    mesh = plsc.VectorSubcoreMesh(core_axis_name="c", subcore_axis_name="s")
    f = pl.kernel(
        _gather_body,
        out_type=(
            jax.ShapeDtypeStruct((EH, EMB), jnp.float32),
            jax.ShapeDtypeStruct((EH, EMB), jnp.float32),
        ),
        mesh=mesh,
        scratch_types=[
            pltpu.VMEM((EPW,), jnp.int32),
            pltpu.VMEM((CHUNK, EMB), jnp.float32),
            pltpu.SemaphoreType.DMA,
        ],
    )
    return f(x, edge_index[0], edge_index[1])


BPG = EPG // B_E


def _edge_kernel(goff, blkoff, ea_ref, xr_ref, xc_ref, row_ref, col_ref, u_ref,
                 WesrT, WuT, em_bb,
                 W1T, na_b1b, W2S,
                 W3T, na_b3b,
                 GekT, GeqT, ge_b1b, W2Sge, onesB,
                 eattr_ref, sent_ref, recv_ref, geacc_ref, acc):
    i = pl.program_id(0)
    nsteps = pl.num_programs(0)
    g = goff + i // BPG

    @pl.when(i == 0)
    def _():
        acc[...] = jnp.zeros_like(acc)

    @pl.when(i % BPG == 0)
    def _():
        sent_ref[...] = jnp.zeros_like(sent_ref)
        recv_ref[...] = jnp.zeros_like(recv_ref)

    ea = ea_ref[...].astype(jnp.bfloat16)
    xr = xr_ref[...].astype(jnp.bfloat16)
    xc = xc_ref[...].astype(jnp.bfloat16)
    u_row = u_ref[pl.ds(g, 1), :]

    dot = functools.partial(jnp.dot, preferred_element_type=jnp.float32)

    ue_g = dot(u_row, WuT[...]) + em_bb[...]
    eattr = dot(jnp.concatenate([ea, xr, xc], axis=1), WesrT[...]) + ue_g
    eattr_ref[...] = eattr
    e16 = eattr.astype(jnp.bfloat16)

    xx1 = _lrelu(dot(jnp.concatenate([xr, xc, e16], axis=1), W1T[...]) + na_b1b[...])
    xx2 = _lrelu(dot(jnp.concatenate([xc, xr, e16], axis=1), W1T[...]) + na_b1b[...])
    e1b = jnp.exp(dot(xx1.astype(jnp.bfloat16), W2S[...]))
    e2b = jnp.exp(dot(xx2.astype(jnp.bfloat16), W2S[...]))

    v1 = dot(jnp.concatenate([xc, e16], axis=1), W3T[...]) + na_b3b[...]
    v2 = dot(jnp.concatenate([xr, e16], axis=1), W3T[...]) + na_b3b[...]

    pay1 = jnp.concatenate(
        [v1 * e1b, e1b[:, :8], e1b[:, HD:HD + 8]], axis=1).astype(jnp.bfloat16)
    pay2 = jnp.concatenate(
        [v2 * e2b, e2b[:, :8], e2b[:, HD:HD + 8]], axis=1).astype(jnp.bfloat16)

    iota_n = lax.broadcasted_iota(jnp.int32, (NPP, 1), 0)
    row_l = row_ref[0, 0, 0, :].reshape(1, B_E) - g * NPG
    col_l = col_ref[0, 0, 0, :].reshape(1, B_E) - g * NPG
    oh_r = (iota_n == row_l).astype(jnp.bfloat16)
    oh_c = (iota_n == col_l).astype(jnp.bfloat16)
    sent_ref[...] += dot(oh_r, pay1)[None]
    recv_ref[...] += dot(oh_c, pay2)[None]

    uge = dot(u_row, GeqT[...]) + ge_b1b[...]
    xge = _lrelu(dot(e16, GekT[...]) + uge)
    egb = jnp.exp(dot(xge.astype(jnp.bfloat16), W2Sge[...]))
    wle = egb * eattr
    gep = jnp.concatenate([wle, egb[:, :8], egb[:, HD:HD + 8]], axis=1)
    partial = dot(onesB[...], gep.astype(jnp.bfloat16))
    gh = lax.broadcasted_iota(jnp.int32, (1, G), 1)
    onehot = (gh == g).astype(jnp.float32)
    acc[...] += lax.dot_general(onehot, partial, (((0,), (0,)), ((), ())),
                                preferred_element_type=jnp.float32)

    @pl.when(i == nsteps - 1)
    def _():
        geacc_ref[...] = acc[...]


def _tc_edge(h, edge_attr, xg_r, xg_c, ei4, u, em_w, em_b, na_w1, na_b1,
             na_w2, na_w3, na_b3, ge_w1, ge_b1, ge_w2):
    b16 = lambda a: a.astype(jnp.bfloat16)
    WesrT = b16(em_w[:, :384].T)
    WuT = em_w[:, 384:].T
    W1T = b16(na_w1.T)
    W3T = b16(na_w3.T)
    GeqT = ge_w1[:, :128].T
    GekT = b16(ge_w1[:, 128:].T)
    em_bb = em_b[None, :]
    na_b1b = na_b1[None, :]
    na_b3b = na_b3[None, :]
    ge_b1b = ge_b1[None, :]
    blockmask = jnp.kron(jnp.eye(2, dtype=jnp.float32), jnp.ones((HD, HD), jnp.float32))
    W2S = b16(na_w2.reshape(EMB, 1) * blockmask)
    W2Sge = b16(ge_w2.reshape(EMB, 1) * blockmask)
    onesB = jnp.ones((1, B_E), jnp.bfloat16)

    nblk = EH // B_E
    blkoff = h * nblk
    goff = h * (G // 2)
    eb = lambda i: (i + blkoff, 0)
    wb = lambda i: (0, 0)
    espec = pl.BlockSpec((B_E, EMB), eb)
    hspec = pl.BlockSpec((B_E, EMB), lambda i: (i, 0))
    rspec = pl.BlockSpec((1, 1, 1, B_E), lambda i: (0, i + blkoff, 0, 0))
    cspec = pl.BlockSpec((1, 1, 1, B_E), lambda i: (1, i + blkoff, 0, 0))
    tspec = pl.BlockSpec((1, NPP, 144), lambda i: (i // BPG, 0, 0))

    full = lambda a: pl.BlockSpec(a.shape, wb)
    ins = [espec, hspec, hspec, rspec, cspec, full(u),
           full(WesrT), full(WuT), full(em_bb),
           full(W1T), full(na_b1b), full(W2S),
           full(W3T), full(na_b3b),
           full(GekT), full(GeqT), full(ge_b1b), full(W2Sge), full(onesB)]

    return pl.pallas_call(
        functools.partial(_edge_kernel, goff, blkoff),
        grid=(nblk,),
        in_specs=ins,
        out_specs=[hspec, tspec, tspec, pl.BlockSpec((G, 144), wb)],
        out_shape=[
            jax.ShapeDtypeStruct((EH, EMB), jnp.float32),
            jax.ShapeDtypeStruct((G // 2, NPP, 144), jnp.float32),
            jax.ShapeDtypeStruct((G // 2, NPP, 144), jnp.float32),
            jax.ShapeDtypeStruct((G, 144), jnp.float32),
        ],
        scratch_shapes=[pltpu.VMEM((G, 144), jnp.float32)],
    )(edge_attr, xg_r, xg_c, ei4, ei4, u,
      WesrT, WuT, em_bb,
      W1T, na_b1b, W2S,
      W3T, na_b3b,
      GekT, GeqT, ge_b1b, W2Sge, onesB)


def _node_kernel(x_ref, sT_ref, rT_ref, u_ref,
                 NxT, NsT, NrT, NuT, nm_bb,
                 GnkT, GnqT, gn_b1b, W2Sgn, onesN,
                 xnew_ref, gnacc_ref, acc):
    g = pl.program_id(0)
    nsteps = pl.num_programs(0)

    @pl.when(g == 0)
    def _():
        acc[...] = jnp.zeros_like(acc)

    dot = functools.partial(jnp.dot, preferred_element_type=jnp.float32)

    xb = x_ref[0].astype(jnp.bfloat16)
    sT = sT_ref[0]
    rT = rT_ref[0]
    sent = jnp.concatenate(
        [sT[:, :HD] / (sT[:, 128:129] + _EPS), sT[:, HD:EMB] / (sT[:, 136:137] + _EPS)],
        axis=1)
    recv = jnp.concatenate(
        [rT[:, :HD] / (rT[:, 128:129] + _EPS), rT[:, HD:EMB] / (rT[:, 136:137] + _EPS)],
        axis=1)

    u_row = u_ref[pl.ds(g, 1), :]
    u_nu = dot(u_row, NuT[...])
    uqn = dot(u_row, GnqT[...]) + gn_b1b[...]

    x_new = (dot(xb, NxT[...]) + dot(sent.astype(jnp.bfloat16), NsT[...])
             + dot(recv.astype(jnp.bfloat16), NrT[...])
             + u_nu + nm_bb[...])
    xnew_ref[...] = x_new[None]

    xgn = _lrelu(dot(x_new.astype(jnp.bfloat16), GnkT[...]) + uqn)
    enb = jnp.exp(dot(xgn.astype(jnp.bfloat16), W2Sgn[...]))
    rmask = (lax.broadcasted_iota(jnp.int32, (NPP, 1), 0) < NPG).astype(jnp.float32)
    enb = enb * rmask
    wln = enb * x_new
    gp = jnp.concatenate([wln, enb[:, :8], enb[:, HD:HD + 8]], axis=1)
    partial = dot(onesN[...], gp.astype(jnp.bfloat16))
    gh = lax.broadcasted_iota(jnp.int32, (1, G), 1)
    onehot = (gh == g).astype(jnp.float32)
    acc[...] += lax.dot_general(onehot, partial, (((0,), (0,)), ((), ())),
                                preferred_element_type=jnp.float32)

    @pl.when(g == nsteps - 1)
    def _():
        gnacc_ref[...] = acc[...]


def _tc_node(x_pad, sentT, recvT, u, nm_w, nm_b, gn_w1, gn_b1, gn_w2):
    b16 = lambda a: a.astype(jnp.bfloat16)
    NxT = b16(nm_w[:, :128].T)
    NsT = b16(nm_w[:, 128:256].T)
    NrT = b16(nm_w[:, 256:384].T)
    NuT = nm_w[:, 384:].T
    GnqT = gn_w1[:, :128].T
    GnkT = b16(gn_w1[:, 128:].T)
    nm_bb = nm_b[None, :]
    gn_b1b = gn_b1[None, :]
    blockmask = jnp.kron(jnp.eye(2, dtype=jnp.float32), jnp.ones((HD, HD), jnp.float32))
    W2Sgn = b16(gn_w2.reshape(EMB, 1) * blockmask)
    onesN = jnp.ones((1, NPP), jnp.bfloat16)

    gb = lambda g: (g, 0, 0)
    wb2 = lambda g: (0, 0)
    nspec = pl.BlockSpec((1, NPP, EMB), gb)
    tspec = pl.BlockSpec((1, NPP, 144), gb)
    full = lambda a: pl.BlockSpec(a.shape, wb2)

    return pl.pallas_call(
        _node_kernel,
        grid=(G,),
        in_specs=[nspec, tspec, tspec, full(u),
                  full(NxT), full(NsT), full(NrT), full(NuT), full(nm_bb),
                  full(GnkT), full(GnqT), full(gn_b1b), full(W2Sgn), full(onesN)],
        out_specs=[nspec, pl.BlockSpec((G, 144), wb2)],
        out_shape=[
            jax.ShapeDtypeStruct((G, NPP, EMB), jnp.float32),
            jax.ShapeDtypeStruct((G, 144), jnp.float32),
        ],
        scratch_shapes=[pltpu.VMEM((G, 144), jnp.float32)],
    )(x_pad, sentT, recvT, u, NxT, NsT, NrT, NuT, nm_bb,
      GnkT, GnqT, gn_b1b, W2Sgn, onesN)


def _global_kernel(u_ref, gnacc_ref, geacc_ref, GuT, GnT, GeT, gm_bb, out_ref):
    dot = functools.partial(jnp.dot, preferred_element_type=jnp.float32)
    gn = gnacc_ref[...]
    ge = geacc_ref[...]
    node_attr = jnp.concatenate(
        [gn[:, :HD] / (gn[:, 128:129] + _EPS), gn[:, HD:EMB] / (gn[:, 136:137] + _EPS)],
        axis=1)
    edge_attr_g = jnp.concatenate(
        [ge[:, :HD] / (ge[:, 128:129] + _EPS), ge[:, HD:EMB] / (ge[:, 136:137] + _EPS)],
        axis=1)
    out_ref[...] = (dot(u_ref[...], GuT[...]) + dot(node_attr, GnT[...])
                    + dot(edge_attr_g, GeT[...]) + gm_bb[...])


def _tc_global(u, gnacc, geacc, gm_w, gm_b):
    GuT = gm_w[:, :128].T
    GnT = gm_w[:, 128:256].T
    GeT = gm_w[:, 256:].T
    gm_bb = gm_b[None, :]
    return pl.pallas_call(
        _global_kernel,
        out_shape=jax.ShapeDtypeStruct((G, EMB), jnp.float32),
    )(u, gnacc, geacc, GuT, GnT, GeT, gm_bb)


def kernel(x, edge_index, edge_attr, u, node_batch, edge_batch, num_edge_per,
           num_nodes_per, num_graph, na_w1, na_b1, na_w2, na_w3, na_b3,
           gn_w1, gn_b1, gn_w2, ge_w1, ge_b1, ge_w2, em_w, em_b,
           nm_w, nm_b, gm_w, gm_b):
    edge_index = edge_index.astype(jnp.int32)
    nblk = E // B_E
    ei4 = edge_index.reshape(2, nblk, 1, B_E)
    ew = (em_w, em_b, na_w1, na_b1, na_w2, na_w3, na_b3, ge_w1, ge_b1, ge_w2)
    xg_r0, xg_c0 = _sc_gather(x, edge_index[:, :EH])
    xg_r1, xg_c1 = _sc_gather(x, edge_index[:, EH:])
    eattr0, sentT0, recvT0, geacc0 = _tc_edge(0, edge_attr, xg_r0, xg_c0, ei4, u, *ew)
    eattr1, sentT1, recvT1, geacc1 = _tc_edge(1, edge_attr, xg_r1, xg_c1, ei4, u, *ew)
    eattr = jnp.concatenate([eattr0, eattr1], axis=0)
    sentT = jnp.concatenate([sentT0, sentT1], axis=0)
    recvT = jnp.concatenate([recvT0, recvT1], axis=0)
    geacc = geacc0 + geacc1
    x_pad = jnp.pad(x.reshape(G, NPG, EMB), ((0, 0), (0, NPP - NPG), (0, 0)))
    x_new_pad, gnacc = _tc_node(x_pad, sentT, recvT, u, nm_w, nm_b,
                                gn_w1, gn_b1, gn_w2)
    x_new = x_new_pad[:, :NPG, :].reshape(N, EMB)
    u_new = _tc_global(u, gnacc, geacc, gm_w, gm_b)
    return (x_new, eattr, u_new)

# --- scband reference (transcript-rebuilt; emitter-appended) ---
"""Pipeline reference for scband-meta-layer-20023137533953 (READ-ONLY COPY).

The authoritative reference and input builder live on the scoring server;
editing this copy changes nothing except your own understanding.
"""

import jax, jax.numpy as jnp
import numpy as np

EMB = 128
H = 2
HD = 64
N = 10000
E = 160000
G = 16
NPG = N // G
EPG = E // G


def _lin_w(key, out_dim, in_dim):
    return jax.random.normal(key, (out_dim, in_dim), dtype=jnp.float32) * (1.0 / np.sqrt(in_dim))


def segment_softmax(x, index, num_segments):
    m = jax.ops.segment_max(x, index, num_segments)
    m = jnp.where(jnp.isfinite(m), m, 0.0)
    m = jax.lax.stop_gradient(m)
    e = jnp.exp(x - m[index])
    s = jax.ops.segment_sum(e, index, num_segments)
    return e / (s[index] + 1e-16)


def setup_inputs(seed: int = 0):
    key = jax.random.key(seed)
    ks = jax.random.split(key, 32)
    x = jax.random.normal(ks[0], (N, EMB), dtype=jnp.float32)
    edge_attr = jax.random.normal(ks[1], (E, EMB), dtype=jnp.float32)
    u = jax.random.normal(ks[2], (G, EMB), dtype=jnp.float32)
    base = jnp.repeat(jnp.arange(G) * NPG, EPG)
    row = base + jax.random.randint(ks[3], (E,), 0, NPG)
    col = base + jax.random.randint(ks[4], (E,), 0, NPG)
    edge_index = jnp.stack([row, col], axis=0)
    node_batch = jnp.repeat(jnp.arange(G), NPG)
    edge_batch = jnp.repeat(jnp.arange(G), EPG)
    num_nodes_per = jnp.full((G,), NPG, dtype=jnp.int32)
    num_edge_per = jnp.full((G,), EPG, dtype=jnp.int32)
    inp = {
        'x': x, 'edge_index': edge_index, 'edge_attr': edge_attr, 'u': u,
        'node_batch': node_batch, 'edge_batch': edge_batch,
        'num_edge_per': num_edge_per, 'num_nodes_per': num_nodes_per, 'num_graph': G,
        'na_w1': _lin_w(ks[5], EMB, 3 * EMB), 'na_b1': jnp.zeros((EMB,), jnp.float32),
        'na_w2': jax.random.normal(ks[6], (H, HD), jnp.float32) * (1.0 / np.sqrt(HD)),
        'na_w3': _lin_w(ks[7], EMB, 2 * EMB), 'na_b3': jnp.zeros((EMB,), jnp.float32),
        'gn_w1': _lin_w(ks[8], EMB, 2 * EMB), 'gn_b1': jnp.zeros((EMB,), jnp.float32),
        'gn_w2': jax.random.normal(ks[9], (H, HD), jnp.float32) * (1.0 / np.sqrt(HD)),
        'ge_w1': _lin_w(ks[10], EMB, 2 * EMB), 'ge_b1': jnp.zeros((EMB,), jnp.float32),
        'ge_w2': jax.random.normal(ks[11], (H, HD), jnp.float32) * (1.0 / np.sqrt(HD)),
        'em_w': _lin_w(ks[12], EMB, 4 * EMB), 'em_b': jnp.zeros((EMB,), jnp.float32),
        'nm_w': _lin_w(ks[13], EMB, 4 * EMB), 'nm_b': jnp.zeros((EMB,), jnp.float32),
        'gm_w': _lin_w(ks[14], EMB, 3 * EMB), 'gm_b': jnp.zeros((EMB,), jnp.float32),
    }
    return inp


def _node_attn(q, k_v, k_e, index, nnode, w1, b1, w2, w3, b3):
    xx = jnp.concatenate([q, k_v, k_e], axis=1)
    xx = (xx @ w1.T + b1).reshape(-1, H, HD)
    xx = jax.nn.leaky_relu(xx)
    aw = jnp.einsum('nhc,hc->nh', xx, w2)[:, :, None]
    aw = segment_softmax(aw, index, nnode)
    v = jnp.concatenate([k_v, k_e], axis=1)
    v = (v @ w3.T + b3).reshape(-1, H, HD)
    out = (aw * v).reshape(-1, EMB)
    return jax.ops.segment_sum(out, index, nnode)


def _global_attn(q, k, index, dim_size, w1, b1, w2):
    xx = jnp.concatenate([q, k], axis=1)
    xx = (xx @ w1.T + b1).reshape(-1, H, HD)
    xx = jax.nn.leaky_relu(xx)
    aw = jnp.einsum('nhc,hc->nh', xx, w2)
    aw = segment_softmax(aw, index, dim_size)[:, :, None]
    v = k.reshape(-1, H, HD)
    out = (aw * v).reshape(-1, EMB)
    return jax.ops.segment_sum(out, index, dim_size)


def reference(x, edge_index, edge_attr, u, node_batch, edge_batch, num_edge_per, num_nodes_per, num_graph, na_w1, na_b1, na_w2, na_w3, na_b3, gn_w1, gn_b1, gn_w2, ge_w1, ge_b1, ge_w2, em_w, em_b, nm_w, nm_b, gm_w, gm_b):
    num_graph_static = u.shape[0]
    row = edge_index[0]
    col = edge_index[1]
    sent_attr = x[row]
    received_attr = x[col]
    global_edges = jnp.repeat(u, num_edge_per, axis=0, total_repeat_length=E)
    concat_feat = jnp.concatenate([edge_attr, sent_attr, received_attr, global_edges], axis=1)
    edge_attr = concat_feat @ em_w.T + em_b
    sent_attr = _node_attn(x[row], x[col], edge_attr, row, x.shape[0], na_w1, na_b1, na_w2, na_w3, na_b3)
    received_attr = _node_attn(x[col], x[row], edge_attr, col, x.shape[0], na_w1, na_b1, na_w2, na_w3, na_b3)
    global_nodes = jnp.repeat(u, num_nodes_per, axis=0, total_repeat_length=N)
    x = jnp.concatenate([x, sent_attr, received_attr, global_nodes], axis=1) @ nm_w.T + nm_b
    node_attributes = _global_attn(global_nodes, x, node_batch, num_graph_static, gn_w1, gn_b1, gn_w2)
    edge_attributes = _global_attn(global_edges, edge_attr, edge_batch, num_graph_static, ge_w1, ge_b1, ge_w2)
    global_feat = jnp.concatenate([u, node_attributes, edge_attributes], axis=-1)
    u = global_feat @ gm_w.T + gm_b
    u = u + (jnp.asarray(num_graph) * 0).astype(u.dtype)
    return (x, edge_attr, u)

if __name__ == "__main__":
    import jax
    _d = setup_inputs()
    print(jax.jit(kernel)(*tuple(_d.values())))

</pallas_src>

<mosaic_0001>
#map = affine_map<(d0, d1) -> (0, 0)>
#map1 = affine_map<(d0, d1) -> (0)>
module attributes {stable_mosaic.version = 14 : i64} {
  func.func @_gather_body(%arg0: i32, %arg1: i32, %arg2: memref<10000x128xf32, #tpu.memory_space<hbm>>, %arg3: memref<80000xi32, #tpu.memory_space<hbm>>, %arg4: memref<80000xi32, #tpu.memory_space<hbm>>, %arg5: memref<80000x128xf32, #tpu.memory_space<hbm>>, %arg6: memref<80000x128xf32, #tpu.memory_space<hbm>>, %arg7: memref<5000xi32, #tpu.memory_space<vmem>>, %arg8: memref<128x128xf32, #tpu.memory_space<vmem>>, %arg9: memref<!tpu.dma_semaphore, #tpu.memory_space<semaphore_mem>>) attributes {dimension_semantics = [#tpu.dimension_semantics<core_parallel>, #tpu.dimension_semantics<subcore_parallel>], iteration_bounds = array<i64: 2, 16>, scalar_prefetch = 0 : i64, scratch_operands = 3 : i64, tpu.core_type = #tpu.core_type<sc_vector_subcore>, window_params = [{transform_indices = #map}, {transform_indices = #map1}, {transform_indices = #map1}, {transform_indices = #map}, {transform_indices = #map}]} {
    %mul3A = arith.constant 5000 : i32
    %mul3A_0 = arith.muli %arg1, %mul3A : i32
    %eq3A = arith.constant 0 : i32
    %eq3A_1 = arith.cmpi eq, %arg0, %eq3A : i32
    %convert_element_type3A = arith.extui %eq3A_1 : i1 to i32
    %cond3A = arith.constant 0 : i32
    %cond3A_2 = arith.cmpi ne, %convert_element_type3A, %cond3A : i32
    scf.if %cond3A_2 {
      "tpu.region"() ({
        %run_scoped3A = tpu.sem_alloc : memref<!tpu.dma_semaphore, #tpu.memory_space<semaphore_mem>>
        %dma_start3A_28 = tpu.memref_slice %arg3[%mul3A_0] : memref<80000xi32, #tpu.memory_space<hbm>> -> memref<5000xi32, #tpu.memory_space<hbm>>
        %dma_start3A_29 = tpu.memref_slice %arg3[%mul3A_0] : memref<80000xi32, #tpu.memory_space<hbm>> -> memref<5000xi32, #tpu.memory_space<hbm>>
        tpu.enqueue_dma source(%dma_start3A_29 : memref<5000xi32, #tpu.memory_space<hbm>>) target(%arg7 : memref<5000xi32, #tpu.memory_space<vmem>>) target_semaphore(%run_scoped3A : memref<!tpu.dma_semaphore, #tpu.memory_space<semaphore_mem>>)
        %dma_wait3A_30 = tpu.memref_slice %arg3[%mul3A_0] : memref<80000xi32, #tpu.memory_space<hbm>> -> memref<5000xi32, #tpu.memory_space<hbm>>
        %dma_wait3A_31 = tpu.memref_slice %arg3[%mul3A_0] : memref<80000xi32, #tpu.memory_space<hbm>> -> memref<5000xi32, #tpu.memory_space<hbm>>
        tpu.wait_dma2 semaphore(%run_scoped3A : memref<!tpu.dma_semaphore, #tpu.memory_space<semaphore_mem>>) src(%dma_wait3A_31 : memref<5000xi32, #tpu.memory_space<hbm>>) dst(%arg7 : memref<5000xi32, #tpu.memory_space<vmem>>)
        tpu.yield
      }) : () -> ()
      %scan3A = arith.constant 0 : i32
      %scan3A_8 = arith.constant 0 : i32
      %scan3A_9 = arith.constant 39 : i32
      %scan3A_10 = arith.addi %scan3A_8, %scan3A_9 : i32
      %scan3A_11 = arith.constant 1 : i32
      scf.for %scan3A_28 = %scan3A_8 to %scan3A_10 step %scan3A_11  : i32 {
        %mul3A_29 = arith.constant 128 : i32
        %mul3A_30 = arith.muli %scan3A_28, %mul3A_29 : i32
        %dma_start3A_31 = tpu.memref_slice %arg7[%mul3A_30] : memref<5000xi32, #tpu.memory_space<vmem>> -> memref<128xi32, #tpu.memory_space<vmem>>
        %dma_start3A_32 = arith.constant 0 : i32
        %dma_start3A_33 = arith.constant 0 : i32
        %dma_start3A_34 = tpu.memref_slice %arg2[%dma_start3A_32, %dma_start3A_33] : memref<10000x128xf32, #tpu.memory_space<hbm>> -> memref<10000x128xf32, #tpu.memory_space<hbm>>
        tpu.enqueue_indirect_dma source(%dma_start3A_34 : memref<10000x128xf32, #tpu.memory_space<hbm>>) target(%arg8 : memref<128x128xf32, #tpu.memory_space<vmem>>) offsets(%dma_start3A_31 : memref<128xi32, #tpu.memory_space<vmem>>) semaphore(%arg9 : memref<!tpu.dma_semaphore, #tpu.memory_space<semaphore_mem>>)
        %dma_wait3A_35 = tpu.memref_slice %arg7[%mul3A_30] : memref<5000xi32, #tpu.memory_space<vmem>> -> memref<128xi32, #tpu.memory_space<vmem>>
        %dma_wait3A_36 = arith.constant 0 : i32
        %dma_wait3A_37 = arith.constant 0 : i32
        %dma_wait3A_38 = tpu.memref_slice %arg2[%dma_wait3A_36, %dma_wait3A_37] : memref<10000x128xf32, #tpu.memory_space<hbm>> -> memref<10000x128xf32, #tpu.memory_space<hbm>>
        tpu.wait_indirect_dma semaphore(%arg9 : memref<!tpu.dma_semaphore, #tpu.memory_space<semaphore_mem>>) src(%dma_wait3A_38 : memref<10000x128xf32, #tpu.memory_space<hbm>>) dst(%arg8 : memref<128x128xf32, #tpu.memory_space<vmem>>)
        %add3A_39 = arith.addi %mul3A_0, %mul3A_30 : i32
        "tpu.region"() ({
          %run_scoped3A = tpu.sem_alloc : memref<!tpu.dma_semaphore, #tpu.memory_space<semaphore_mem>>
          %dma_start3A_40 = arith.constant 0 : i32
          %dma_start3A_41 = tpu.memref_slice %arg5[%add3A_39, %dma_start3A_40] : memref<80000x128xf32, #tpu.memory_space<hbm>> -> memref<128x128xf32, #tpu.memory_space<hbm>>
          %dma_start3A_42 = arith.constant 0 : i32
          %dma_start3A_43 = tpu.memref_slice %arg5[%add3A_39, %dma_start3A_42] : memref<80000x128xf32, #tpu.memory_space<hbm>> -> memref<128x128xf32, #tpu.memory_space<hbm>>
          tpu.enqueue_dma source(%arg8 : memref<128x128xf32, #tpu.memory_space<vmem>>) target(%dma_start3A_43 : memref<128x128xf32, #tpu.memory_space<hbm>>) target_semaphore(%run_scoped3A : memref<!tpu.dma_semaphore, #tpu.memory_space<semaphore_mem>>)
          %dma_wait3A_44 = arith.constant 0 : i32
          %dma_wait3A_45 = tpu.memref_slice %arg5[%add3A_39, %dma_wait3A_44] : memref<80000x128xf32, #tpu.memory_space<hbm>> -> memref<128x128xf32, #tpu.memory_space<hbm>>
          %dma_wait3A_46 = arith.constant 0 : i32
          %dma_wait3A_47 = tpu.memref_slice %arg5[%add3A_39, %dma_wait3A_46] : memref<80000x128xf32, #tpu.memory_space<hbm>> -> memref<128x128xf32, #tpu.memory_space<hbm>>
          tpu.wait_dma2 semaphore(%run_scoped3A : memref<!tpu.dma_semaphore, #tpu.memory_space<semaphore_mem>>) src(%arg8 : memref<128x128xf32, #tpu.memory_space<vmem>>) dst(%dma_wait3A_47 : memref<128x128xf32, #tpu.memory_space<hbm>>)
          tpu.yield
        }) : () -> ()
      }
      %scan3A_12 = arith.constant 39 : i32
      %dma_start3A = arith.constant 0 : i32
      %dma_start3A_13 = arith.constant 0 : i32
      %dma_start3A_14 = tpu.memref_slice %arg8[%dma_start3A, %dma_start3A_13] : memref<128x128xf32, #tpu.memory_space<vmem>> -> memref<8x128xf32, #tpu.memory_space<vmem>>
      %dma_start3A_15 = arith.constant 4992 : i32
      %dma_start3A_16 = tpu.memref_slice %arg7[%dma_start3A_15] : memref<5000xi32, #tpu.memory_space<vmem>> -> memref<8xi32, #tpu.memory_space<vmem>>
      %dma_start3A_17 = arith.constant 0 : i32
      %dma_start3A_18 = arith.constant 0 : i32
      %dma_start3A_19 = tpu.memref_slice %arg2[%dma_start3A_17, %dma_start3A_18] : memref<10000x128xf32, #tpu.memory_space<hbm>> -> memref<10000x128xf32, #tpu.memory_space<hbm>>
      tpu.enqueue_indirect_dma source(%dma_start3A_19 : memref<10000x128xf32, #tpu.memory_space<hbm>>) target(%dma_start3A_14 : memref<8x128xf32, #tpu.memory_space<vmem>>) offsets(%dma_start3A_16 : memref<8xi32, #tpu.memory_space<vmem>>) semaphore(%arg9 : memref<!tpu.dma_semaphore, #tpu.memory_space<semaphore_mem>>)
      %dma_wait3A = arith.constant 0 : i32
      %dma_wait3A_20 = arith.constant 0 : i32
      %dma_wait3A_21 = tpu.memref_slice %arg8[%dma_wait3A, %dma_wait3A_20] : memref<128x128xf32, #tpu.memory_space<vmem>> -> memref<8x128xf32, #tpu.memory_space<vmem>>
      %dma_wait3A_22 = arith.constant 4992 : i32
      %dma_wait3A_23 = tpu.memref_slice %arg7[%dma_wait3A_22] : memref<5000xi32, #tpu.memory_space<vmem>> -> memref<8xi32, #tpu.memory_space<vmem>>
      %dma_wait3A_24 = arith.constant 0 : i32
      %dma_wait3A_25 = arith.constant 0 : i32
      %dma_wait3A_26 = tpu.memref_slice %arg2[%dma_wait3A_24, %dma_wait3A_25] : memref<10000x128xf32, #tpu.memory_space<hbm>> -> memref<10000x128xf32, #tpu.memory_space<hbm>>
      tpu.wait_indirect_dma semaphore(%arg9 : memref<!tpu.dma_semaphore, #tpu.memory_space<semaphore_mem>>) src(%dma_wait3A_26 : memref<10000x128xf32, #tpu.memory_space<hbm>>) dst(%dma_wait3A_21 : memref<8x128xf32, #tpu.memory_space<vmem>>)
      %add3A = arith.constant 4992 : i32
      %add3A_27 = arith.addi %mul3A_0, %add3A : i32
      "tpu.region"() ({
        %run_scoped3A = tpu.sem_alloc : memref<!tpu.dma_semaphore, #tpu.memory_space<semaphore_mem>>
        %dma_start3A_28 = arith.constant 0 : i32
        %dma_start3A_29 = arith.constant 0 : i32
        %dma_start3A_30 = tpu.memref_slice %arg8[%dma_start3A_28, %dma_start3A_29] : memref<128x128xf32, #tpu.memory_space<vmem>> -> memref<8x128xf32, #tpu.memory_space<vmem>>
        %dma_start3A_31 = arith.constant 0 : i32
        %dma_start3A_32 = tpu.memref_slice %arg5[%add3A_27, %dma_start3A_31] : memref<80000x128xf32, #tpu.memory_space<hbm>> -> memref<8x128xf32, #tpu.memory_space<hbm>>
        %dma_start3A_33 = arith.constant 0 : i32
        %dma_start3A_34 = tpu.memref_slice %arg5[%add3A_27, %dma_start3A_33] : memref<80000x128xf32, #tpu.memory_space<hbm>> -> memref<8x128xf32, #tpu.memory_space<hbm>>
        %dma_start3A_35 = arith.constant 0 : i32
        %dma_start3A_36 = arith.constant 0 : i32
        %dma_start3A_37 = tpu.memref_slice %arg8[%dma_start3A_35, %dma_start3A_36] : memref<128x128xf32, #tpu.memory_space<vmem>> -> memref<8x128xf32, #tpu.memory_space<vmem>>
        tpu.enqueue_dma source(%dma_start3A_37 : memref<8x128xf32, #tpu.memory_space<vmem>>) target(%dma_start3A_34 : memref<8x128xf32, #tpu.memory_space<hbm>>) target_semaphore(%run_scoped3A : memref<!tpu.dma_semaphore, #tpu.memory_space<semaphore_mem>>)
        %dma_wait3A_38 = arith.constant 0 : i32
        %dma_wait3A_39 = arith.constant 0 : i32
        %dma_wait3A_40 = tpu.memref_slice %arg8[%dma_wait3A_38, %dma_wait3A_39] : memref<128x128xf32, #tpu.memory_space<vmem>> -> memref<8x128xf32, #tpu.memory_space<vmem>>
        %dma_wait3A_41 = arith.constant 0 : i32
        %dma_wait3A_42 = tpu.memref_slice %arg5[%add3A_27, %dma_wait3A_41] : memref<80000x128xf32, #tpu.memory_space<hbm>> -> memref<8x128xf32, #tpu.memory_space<hbm>>
        %dma_wait3A_43 = arith.constant 0 : i32
        %dma_wait3A_44 = tpu.memref_slice %arg5[%add3A_27, %dma_wait3A_43] : memref<80000x128xf32, #tpu.memory_space<hbm>> -> memref<8x128xf32, #tpu.memory_space<hbm>>
        %dma_wait3A_45 = arith.constant 0 : i32
        %dma_wait3A_46 = arith.constant 0 : i32
        %dma_wait3A_47 = tpu.memref_slice %arg8[%dma_wait3A_45, %dma_wait3A_46] : memref<128x128xf32, #tpu.memory_space<vmem>> -> memref<8x128xf32, #tpu.memory_space<vmem>>
        tpu.wait_dma2 semaphore(%run_scoped3A : memref<!tpu.dma_semaphore, #tpu.memory_space<semaphore_mem>>) src(%dma_wait3A_47 : memref<8x128xf32, #tpu.memory_space<vmem>>) dst(%dma_wait3A_44 : memref<8x128xf32, #tpu.memory_space<hbm>>)
        tpu.yield
      }) : () -> ()
    } else {
    }
    %eq3A_3 = arith.constant 1 : i32
    %eq3A_4 = arith.cmpi eq, %arg0, %eq3A_3 : i32
    %convert_element_type3A_5 = arith.extui %eq3A_4 : i1 to i32
    %cond3A_6 = arith.constant 0 : i32
    %cond3A_7 = arith.cmpi ne, %convert_element_type3A_5, %cond3A_6 : i32
    scf.if %cond3A_7 {
      "tpu.region"() ({
        %run_scoped3A = tpu.sem_alloc : memref<!tpu.dma_semaphore, #tpu.memory_space<semaphore_mem>>
        %dma_start3A_28 = tpu.memref_slice %arg4[%mul3A_0] : memref<80000xi32, #tpu.memory_space<hbm>> -> memref<5000xi32, #tpu.memory_space<hbm>>
        %dma_start3A_29 = tpu.memref_slice %arg4[%mul3A_0] : memref<80000xi32, #tpu.memory_space<hbm>> -> memref<5000xi32, #tpu.memory_space<hbm>>
        tpu.enqueue_dma source(%dma_start3A_29 : memref<5000xi32, #tpu.memory_space<hbm>>) target(%arg7 : memref<5000xi32, #tpu.memory_space<vmem>>) target_semaphore(%run_scoped3A : memref<!tpu.dma_semaphore, #tpu.memory_space<semaphore_mem>>)
        %dma_wait3A_30 = tpu.memref_slice %arg4[%mul3A_0] : memref<80000xi32, #tpu.memory_space<hbm>> -> memref<5000xi32, #tpu.memory_space<hbm>>
        %dma_wait3A_31 = tpu.memref_slice %arg4[%mul3A_0] : memref<80000xi32, #tpu.memory_space<hbm>> -> memref<5000xi32, #tpu.memory_space<hbm>>
        tpu.wait_dma2 semaphore(%run_scoped3A : memref<!tpu.dma_semaphore, #tpu.memory_space<semaphore_mem>>) src(%dma_wait3A_31 : memref<5000xi32, #tpu.memory_space<hbm>>) dst(%arg7 : memref<5000xi32, #tpu.memory_space<vmem>>)
        tpu.yield
      }) : () -> ()
      %scan3A = arith.constant 0 : i32
      %scan3A_8 = arith.constant 0 : i32
      %scan3A_9 = arith.constant 39 : i32
      %scan3A_10 = arith.addi %scan3A_8, %scan3A_9 : i32
      %scan3A_11 = arith.constant 1 : i32
      scf.for %scan3A_28 = %scan3A_8 to %scan3A_10 step %scan3A_11  : i32 {
        %mul3A_29 = arith.constant 128 : i32
        %mul3A_30 = arith.muli %scan3A_28, %mul3A_29 : i32
        %dma_start3A_31 = tpu.memref_slice %arg7[%mul3A_30] : memref<5000xi32, #tpu.memory_space<vmem>> -> memref<128xi32, #tpu.memory_space<vmem>>
        %dma_start3A_32 = arith.constant 0 : i32
        %dma_start3A_33 = arith.constant 0 : i32
        %dma_start3A_34 = tpu.memref_slice %arg2[%dma_start3A_32, %dma_start3A_33] : memref<10000x128xf32, #tpu.memory_space<hbm>> -> memref<10000x128xf32, #tpu.memory_space<hbm>>
        tpu.enqueue_indirect_dma source(%dma_start3A_34 : memref<10000x128xf32, #tpu.memory_space<hbm>>) target(%arg8 : memref<128x128xf32, #tpu.memory_space<vmem>>) offsets(%dma_start3A_31 : memref<128xi32, #tpu.memory_space<vmem>>) semaphore(%arg9 : memref<!tpu.dma_semaphore, #tpu.memory_space<semaphore_mem>>)
        %dma_wait3A_35 = tpu.memref_slice %arg7[%mul3A_30] : memref<5000xi32, #tpu.memory_space<vmem>> -> memref<128xi32, #tpu.memory_space<vmem>>
        %dma_wait3A_36 = arith.constant 0 : i32
        %dma_wait3A_37 = arith.constant 0 : i32
        %dma_wait3A_38 = tpu.memref_slice %arg2[%dma_wait3A_36, %dma_wait3A_37] : memref<10000x128xf32, #tpu.memory_space<hbm>> -> memref<10000x128xf32, #tpu.memory_space<hbm>>
        tpu.wait_indirect_dma semaphore(%arg9 : memref<!tpu.dma_semaphore, #tpu.memory_space<semaphore_mem>>) src(%dma_wait3A_38 : memref<10000x128xf32, #tpu.memory_space<hbm>>) dst(%arg8 : memref<128x128xf32, #tpu.memory_space<vmem>>)
        %add3A_39 = arith.addi %mul3A_0, %mul3A_30 : i32
        "tpu.region"() ({
          %run_scoped3A = tpu.sem_alloc : memref<!tpu.dma_semaphore, #tpu.memory_space<semaphore_mem>>
          %dma_start3A_40 = arith.constant 0 : i32
          %dma_start3A_41 = tpu.memref_slice %arg6[%add3A_39, %dma_start3A_40] : memref<80000x128xf32, #tpu.memory_space<hbm>> -> memref<128x128xf32, #tpu.memory_space<hbm>>
          %dma_start3A_42 = arith.constant 0 : i32
          %dma_start3A_43 = tpu.memref_slice %arg6[%add3A_39, %dma_start3A_42] : memref<80000x128xf32, #tpu.memory_space<hbm>> -> memref<128x128xf32, #tpu.memory_space<hbm>>
          tpu.enqueue_dma source(%arg8 : memref<128x128xf32, #tpu.memory_space<vmem>>) target(%dma_start3A_43 : memref<128x128xf32, #tpu.memory_space<hbm>>) target_semaphore(%run_scoped3A : memref<!tpu.dma_semaphore, #tpu.memory_space<semaphore_mem>>)
          %dma_wait3A_44 = arith.constant 0 : i32
          %dma_wait3A_45 = tpu.memref_slice %arg6[%add3A_39, %dma_wait3A_44] : memref<80000x128xf32, #tpu.memory_space<hbm>> -> memref<128x128xf32, #tpu.memory_space<hbm>>
          %dma_wait3A_46 = arith.constant 0 : i32
          %dma_wait3A_47 = tpu.memref_slice %arg6[%add3A_39, %dma_wait3A_46] : memref<80000x128xf32, #tpu.memory_space<hbm>> -> memref<128x128xf32, #tpu.memory_space<hbm>>
          tpu.wait_dma2 semaphore(%run_scoped3A : memref<!tpu.dma_semaphore, #tpu.memory_space<semaphore_mem>>) src(%arg8 : memref<128x128xf32, #tpu.memory_space<vmem>>) dst(%dma_wait3A_47 : memref<128x128xf32, #tpu.memory_space<hbm>>)
          tpu.yield
        }) : () -> ()
      }
      %scan3A_12 = arith.constant 39 : i32
      %dma_start3A = arith.constant 0 : i32
      %dma_start3A_13 = arith.constant 0 : i32
      %dma_start3A_14 = tpu.memref_slice %arg8[%dma_start3A, %dma_start3A_13] : memref<128x128xf32, #tpu.memory_space<vmem>> -> memref<8x128xf32, #tpu.memory_space<vmem>>
      %dma_start3A_15 = arith.constant 4992 : i32
      %dma_start3A_16 = tpu.memref_slice %arg7[%dma_start3A_15] : memref<5000xi32, #tpu.memory_space<vmem>> -> memref<8xi32, #tpu.memory_space<vmem>>
      %dma_start3A_17 = arith.constant 0 : i32
      %dma_start3A_18 = arith.constant 0 : i32
      %dma_start3A_19 = tpu.memref_slice %arg2[%dma_start3A_17, %dma_start3A_18] : memref<10000x128xf32, #tpu.memory_space<hbm>> -> memref<10000x128xf32, #tpu.memory_space<hbm>>
      tpu.enqueue_indirect_dma source(%dma_start3A_19 : memref<10000x128xf32, #tpu.memory_space<hbm>>) target(%dma_start3A_14 : memref<8x128xf32, #tpu.memory_space<vmem>>) offsets(%dma_start3A_16 : memref<8xi32, #tpu.memory_space<vmem>>) semaphore(%arg9 : memref<!tpu.dma_semaphore, #tpu.memory_space<semaphore_mem>>)
      %dma_wait3A = arith.constant 0 : i32
      %dma_wait3A_20 = arith.constant 0 : i32
      %dma_wait3A_21 = tpu.memref_slice %arg8[%dma_wait3A, %dma_wait3A_20] : memref<128x128xf32, #tpu.memory_space<vmem>> -> memref<8x128xf32, #tpu.memory_space<vmem>>
      %dma_wait3A_22 = arith.constant 4992 : i32
      %dma_wait3A_23 = tpu.memref_slice %arg7[%dma_wait3A_22] : memref<5000xi32, #tpu.memory_space<vmem>> -> memref<8xi32, #tpu.memory_space<vmem>>
      %dma_wait3A_24 = arith.constant 0 : i32
      %dma_wait3A_25 = arith.constant 0 : i32
      %dma_wait3A_26 = tpu.memref_slice %arg2[%dma_wait3A_24, %dma_wait3A_25] : memref<10000x128xf32, #tpu.memory_space<hbm>> -> memref<10000x128xf32, #tpu.memory_space<hbm>>
      tpu.wait_indirect_dma semaphore(%arg9 : memref<!tpu.dma_semaphore, #tpu.memory_space<semaphore_mem>>) src(%dma_wait3A_26 : memref<10000x128xf32, #tpu.memory_space<hbm>>) dst(%dma_wait3A_21 : memref<8x128xf32, #tpu.memory_space<vmem>>)
      %add3A = arith.constant 4992 : i32
      %add3A_27 = arith.addi %mul3A_0, %add3A : i32
      "tpu.region"() ({
        %run_scoped3A = tpu.sem_alloc : memref<!tpu.dma_semaphore, #tpu.memory_space<semaphore_mem>>
        %dma_start3A_28 = arith.constant 0 : i32
        %dma_start3A_29 = arith.constant 0 : i32
        %dma_start3A_30 = tpu.memref_slice %arg8[%dma_start3A_28, %dma_start3A_29] : memref<128x128xf32, #tpu.memory_space<vmem>> -> memref<8x128xf32, #tpu.memory_space<vmem>>
        %dma_start3A_31 = arith.constant 0 : i32
        %dma_start3A_32 = tpu.memref_slice %arg6[%add3A_27, %dma_start3A_31] : memref<80000x128xf32, #tpu.memory_space<hbm>> -> memref<8x128xf32, #tpu.memory_space<hbm>>
        %dma_start3A_33 = arith.constant 0 : i32
        %dma_start3A_34 = tpu.memref_slice %arg6[%add3A_27, %dma_start3A_33] : memref<80000x128xf32, #tpu.memory_space<hbm>> -> memref<8x128xf32, #tpu.memory_space<hbm>>
        %dma_start3A_35 = arith.constant 0 : i32
        %dma_start3A_36 = arith.constant 0 : i32
        %dma_start3A_37 = tpu.memref_slice %arg8[%dma_start3A_35, %dma_start3A_36] : memref<128x128xf32, #tpu.memory_space<vmem>> -> memref<8x128xf32, #tpu.memory_space<vmem>>
        tpu.enqueue_dma source(%dma_start3A_37 : memref<8x128xf32, #tpu.memory_space<vmem>>) target(%dma_start3A_34 : memref<8x128xf32, #tpu.memory_space<hbm>>) target_semaphore(%run_scoped3A : memref<!tpu.dma_semaphore, #tpu.memory_space<semaphore_mem>>)
        %dma_wait3A_38 = arith.constant 0 : i32
        %dma_wait3A_39 = arith.constant 0 : i32
        %dma_wait3A_40 = tpu.memref_slice %arg8[%dma_wait3A_38, %dma_wait3A_39] : memref<128x128xf32, #tpu.memory_space<vmem>> -> memref<8x128xf32, #tpu.memory_space<vmem>>
        %dma_wait3A_41 = arith.constant 0 : i32
        %dma_wait3A_42 = tpu.memref_slice %arg6[%add3A_27, %dma_wait3A_41] : memref<80000x128xf32, #tpu.memory_space<hbm>> -> memref<8x128xf32, #tpu.memory_space<hbm>>
        %dma_wait3A_43 = arith.constant 0 : i32
        %dma_wait3A_44 = tpu.memref_slice %arg6[%add3A_27, %dma_wait3A_43] : memref<80000x128xf32, #tpu.memory_space<hbm>> -> memref<8x128xf32, #tpu.memory_space<hbm>>
        %dma_wait3A_45 = arith.constant 0 : i32
        %dma_wait3A_46 = arith.constant 0 : i32
        %dma_wait3A_47 = tpu.memref_slice %arg8[%dma_wait3A_45, %dma_wait3A_46] : memref<128x128xf32, #tpu.memory_space<vmem>> -> memref<8x128xf32, #tpu.memory_space<vmem>>
        tpu.wait_dma2 semaphore(%run_scoped3A : memref<!tpu.dma_semaphore, #tpu.memory_space<semaphore_mem>>) src(%dma_wait3A_47 : memref<8x128xf32, #tpu.memory_space<vmem>>) dst(%dma_wait3A_44 : memref<8x128xf32, #tpu.memory_space<hbm>>)
        tpu.yield
      }) : () -> ()
    } else {
    }
    return
  }
}

#map = affine_map<(d0, d1) -> (0, 0)>
#map1 = affine_map<(d0, d1) -> (0)>
module attributes {stable_mosaic.version = 14 : i64} {
  func.func @_gather_body(%arg0: i32, %arg1: i32, %arg2: memref<10000x128xf32, #tpu.memory_space<hbm>>, %arg3: memref<80000xi32, #tpu.memory_space<hbm>>, %arg4: memref<80000xi32, #tpu.memory_space<hbm>>, %arg5: memref<80000x128xf32, #tpu.memory_space<hbm>>, %arg6: memref<80000x128xf32, #tpu.memory_space<hbm>>, %arg7: memref<5000xi32, #tpu.memory_space<vmem>>, %arg8: memref<128x128xf32, #tpu.memory_space<vmem>>, %arg9: memref<!tpu.dma_semaphore, #tpu.memory_space<semaphore_mem>>) attributes {dimension_semantics = [#tpu.dimension_semantics<core_parallel>, #tpu.dimension_semantics<subcore_parallel>], iteration_bounds = array<i64: 2, 16>, scalar_prefetch = 0 : i64, scratch_operands = 3 : i64, tpu.core_type = #tpu.core_type<sc_vector_subcore>, window_params = [{transform_indices = #map}, {transform_indices = #map1}, {transform_indices = #map1}, {transform_indices = #map}, {transform_indices = #map}]} {
    %mul3A = arith.constant 5000 : i32
    %mul3A_0 = arith.muli %arg1, %mul3A : i32
    %eq3A = arith.constant 0 : i32
    %eq3A_1 = arith.cmpi eq, %arg0, %eq3A : i32
    %convert_element_type3A = arith.extui %eq3A_1 : i1 to i32
    %cond3A = arith.constant 0 : i32
    %cond3A_2 = arith.cmpi ne, %convert_element_type3A, %cond3A : i32
    scf.if %cond3A_2 {
      "tpu.region"() ({
        %run_scoped3A = tpu.sem_alloc : memref<!tpu.dma_semaphore, #tpu.memory_space<semaphore_mem>>
        %dma_start3A_28 = tpu.memref_slice %arg3[%mul3A_0] : memref<80000xi32, #tpu.memory_space<hbm>> -> memref<5000xi32, #tpu.memory_space<hbm>>
        %dma_start3A_29 = tpu.memref_slice %arg3[%mul3A_0] : memref<80000xi32, #tpu.memory_space<hbm>> -> memref<5000xi32, #tpu.memory_space<hbm>>
        tpu.enqueue_dma source(%dma_start3A_29 : memref<5000xi32, #tpu.memory_space<hbm>>) target(%arg7 : memref<5000xi32, #tpu.memory_space<vmem>>) target_semaphore(%run_scoped3A : memref<!tpu.dma_semaphore, #tpu.memory_space<semaphore_mem>>)
        %dma_wait3A_30 = tpu.memref_slice %arg3[%mul3A_0] : memref<80000xi32, #tpu.memory_space<hbm>> -> memref<5000xi32, #tpu.memory_space<hbm>>
        %dma_wait3A_31 = tpu.memref_slice %arg3[%mul3A_0] : memref<80000xi32, #tpu.memory_space<hbm>> -> memref<5000xi32, #tpu.memory_space<hbm>>
        tpu.wait_dma2 semaphore(%run_scoped3A : memref<!tpu.dma_semaphore, #tpu.memory_space<semaphore_mem>>) src(%dma_wait3A_31 : memref<5000xi32, #tpu.memory_space<hbm>>) dst(%arg7 : memref<5000xi32, #tpu.memory_space<vmem>>)
        tpu.yield
      }) : () -> ()
      %scan3A = arith.constant 0 : i32
      %scan3A_8 = arith.constant 0 : i32
      %scan3A_9 = arith.constant 39 : i32
      %scan3A_10 = arith.addi %scan3A_8, %scan3A_9 : i32
      %scan3A_11 = arith.constant 1 : i32
      scf.for %scan3A_28 = %scan3A_8 to %scan3A_10 step %scan3A_11  : i32 {
        %mul3A_29 = arith.constant 128 : i32
        %mul3A_30 = arith.muli %scan3A_28, %mul3A_29 : i32
        %dma_start3A_31 = tpu.memref_slice %arg7[%mul3A_30] : memref<5000xi32, #tpu.memory_space<vmem>> -> memref<128xi32, #tpu.memory_space<vmem>>
        %dma_start3A_32 = arith.constant 0 : i32
        %dma_start3A_33 = arith.constant 0 : i32
        %dma_start3A_34 = tpu.memref_slice %arg2[%dma_start3A_32, %dma_start3A_33] : memref<10000x128xf32, #tpu.memory_space<hbm>> -> memref<10000x128xf32, #tpu.memory_space<hbm>>
        tpu.enqueue_indirect_dma source(%dma_start3A_34 : memref<10000x128xf32, #tpu.memory_space<hbm>>) target(%arg8 : memref<128x128xf32, #tpu.memory_space<vmem>>) offsets(%dma_start3A_31 : memref<128xi32, #tpu.memory_space<vmem>>) semaphore(%arg9 : memref<!tpu.dma_semaphore, #tpu.memory_space<semaphore_mem>>)
        %dma_wait3A_35 = tpu.memref_slice %arg7[%mul3A_30] : memref<5000xi32, #tpu.memory_space<vmem>> -> memref<128xi32, #tpu.memory_space<vmem>>
        %dma_wait3A_36 = arith.constant 0 : i32
        %dma_wait3A_37 = arith.constant 0 : i32
        %dma_wait3A_38 = tpu.memref_slice %arg2[%dma_wait3A_36, %dma_wait3A_37] : memref<10000x128xf32, #tpu.memory_space<hbm>> -> memref<10000x128xf32, #tpu.memory_space<hbm>>
        tpu.wait_indirect_dma semaphore(%arg9 : memref<!tpu.dma_semaphore, #tpu.memory_space<semaphore_mem>>) src(%dma_wait3A_38 : memref<10000x128xf32, #tpu.memory_space<hbm>>) dst(%arg8 : memref<128x128xf32, #tpu.memory_space<vmem>>)
        %add3A_39 = arith.addi %mul3A_0, %mul3A_30 : i32
        "tpu.region"() ({
          %run_scoped3A = tpu.sem_alloc : memref<!tpu.dma_semaphore, #tpu.memory_space<semaphore_mem>>
          %dma_start3A_40 = arith.constant 0 : i32
          %dma_start3A_41 = tpu.memref_slice %arg5[%add3A_39, %dma_start3A_40] : memref<80000x128xf32, #tpu.memory_space<hbm>> -> memref<128x128xf32, #tpu.memory_space<hbm>>
          %dma_start3A_42 = arith.constant 0 : i32
          %dma_start3A_43 = tpu.memref_slice %arg5[%add3A_39, %dma_start3A_42] : memref<80000x128xf32, #tpu.memory_space<hbm>> -> memref<128x128xf32, #tpu.memory_space<hbm>>
          tpu.enqueue_dma source(%arg8 : memref<128x128xf32, #tpu.memory_space<vmem>>) target(%dma_start3A_43 : memref<128x128xf32, #tpu.memory_space<hbm>>) target_semaphore(%run_scoped3A : memref<!tpu.dma_semaphore, #tpu.memory_space<semaphore_mem>>)
          %dma_wait3A_44 = arith.constant 0 : i32
          %dma_wait3A_45 = tpu.memref_slice %arg5[%add3A_39, %dma_wait3A_44] : memref<80000x128xf32, #tpu.memory_space<hbm>> -> memref<128x128xf32, #tpu.memory_space<hbm>>
          %dma_wait3A_46 = arith.constant 0 : i32
          %dma_wait3A_47 = tpu.memref_slice %arg5[%add3A_39, %dma_wait3A_46] : memref<80000x128xf32, #tpu.memory_space<hbm>> -> memref<128x128xf32, #tpu.memory_space<hbm>>
          tpu.wait_dma2 semaphore(%run_scoped3A : memref<!tpu.dma_semaphore, #tpu.memory_space<semaphore_mem>>) src(%arg8 : memref<128x128xf32, #tpu.memory_space<vmem>>) dst(%dma_wait3A_47 : memref<128x128xf32, #tpu.memory_space<hbm>>)
          tpu.yield
        }) : () -> ()
      }
      %scan3A_12 = arith.constant 39 : i32
      %dma_start3A = arith.constant 0 : i32
      %dma_start3A_13 = arith.constant 0 : i32
      %dma_start3A_14 = tpu.memref_slice %arg8[%dma_start3A, %dma_start3A_13] : memref<128x128xf32, #tpu.memory_space<vmem>> -> memref<8x128xf32, #tpu.memory_space<vmem>>
      %dma_start3A_15 = arith.constant 4992 : i32
      %dma_start3A_16 = tpu.memref_slice %arg7[%dma_start3A_15] : memref<5000xi32, #tpu.memory_space<vmem>> -> memref<8xi32, #tpu.memory_space<vmem>>
      %dma_start3A_17 = arith.constant 0 : i32
      %dma_start3A_18 = arith.constant 0 : i32
      %dma_start3A_19 = tpu.memref_slice %arg2[%dma_start3A_17, %dma_start3A_18] : memref<10000x128xf32, #tpu.memory_space<hbm>> -> memref<10000x128xf32, #tpu.memory_space<hbm>>
      tpu.enqueue_indirect_dma source(%dma_start3A_19 : memref<10000x128xf32, #tpu.memory_space<hbm>>) target(%dma_start3A_14 : memref<8x128xf32, #tpu.memory_space<vmem>>) offsets(%dma_start3A_16 : memref<8xi32, #tpu.memory_space<vmem>>) semaphore(%arg9 : memref<!tpu.dma_semaphore, #tpu.memory_space<semaphore_mem>>)
      %dma_wait3A = arith.constant 0 : i32
      %dma_wait3A_20 = arith.constant 0 : i32
      %dma_wait3A_21 = tpu.memref_slice %arg8[%dma_wait3A, %dma_wait3A_20] : memref<128x128xf32, #tpu.memory_space<vmem>> -> memref<8x128xf32, #tpu.memory_space<vmem>>
      %dma_wait3A_22 = arith.constant 4992 : i32
      %dma_wait3A_23 = tpu.memref_slice %arg7[%dma_wait3A_22] : memref<5000xi32, #tpu.memory_space<vmem>> -> memref<8xi32, #tpu.memory_space<vmem>>
      %dma_wait3A_24 = arith.constant 0 : i32
      %dma_wait3A_25 = arith.constant 0 : i32
      %dma_wait3A_26 = tpu.memref_slice %arg2[%dma_wait3A_24, %dma_wait3A_25] : memref<10000x128xf32, #tpu.memory_space<hbm>> -> memref<10000x128xf32, #tpu.memory_space<hbm>>
      tpu.wait_indirect_dma semaphore(%arg9 : memref<!tpu.dma_semaphore, #tpu.memory_space<semaphore_mem>>) src(%dma_wait3A_26 : memref<10000x128xf32, #tpu.memory_space<hbm>>) dst(%dma_wait3A_21 : memref<8x128xf32, #tpu.memory_space<vmem>>)
      %add3A = arith.constant 4992 : i32
      %add3A_27 = arith.addi %mul3A_0, %add3A : i32
      "tpu.region"() ({
        %run_scoped3A = tpu.sem_alloc : memref<!tpu.dma_semaphore, #tpu.memory_space<semaphore_mem>>
        %dma_start3A_28 = arith.constant 0 : i32
        %dma_start3A_29 = arith.constant 0 : i32
        %dma_start3A_30 = tpu.memref_slice %arg8[%dma_start3A_28, %dma_start3A_29] : memref<128x128xf32, #tpu.memory_space<vmem>> -> memref<8x128xf32, #tpu.memory_space<vmem>>
        %dma_start3A_31 = arith.constant 0 : i32
        %dma_start3A_32 = tpu.memref_slice %arg5[%add3A_27, %dma_start3A_31] : memref<80000x128xf32, #tpu.memory_space<hbm>> -> memref<8x128xf32, #tpu.memory_space<hbm>>
        %dma_start3A_33 = arith.constant 0 : i32
        %dma_start3A_34 = tpu.memref_slice %arg5[%add3A_27, %dma_start3A_33] : memref<80000x128xf32, #tpu.memory_space<hbm>> -> memref<8x128xf32, #tpu.memory_space<hbm>>
        %dma_start3A_35 = arith.constant 0 : i32
        %dma_start3A_36 = arith.constant 0 : i32
        %dma_start3A_37 = tpu.memref_slice %arg8[%dma_start3A_35, %dma_start3A_36] : memref<128x128xf32, #tpu.memory_space<vmem>> -> memref<8x128xf32, #tpu.memory_space<vmem>>
        tpu.enqueue_dma source(%dma_start3A_37 : memref<8x128xf32, #tpu.memory_space<vmem>>) target(%dma_start3A_34 : memref<8x128xf32, #tpu.memory_space<hbm>>) target_semaphore(%run_scoped3A : memref<!tpu.dma_semaphore, #tpu.memory_space<semaphore_mem>>)
        %dma_wait3A_38 = arith.constant 0 : i32
        %dma_wait3A_39 = arith.constant 0 : i32
        %dma_wait3A_40 = tpu.memref_slice %arg8[%dma_wait3A_38, %dma_wait3A_39] : memref<128x128xf32, #tpu.memory_space<vmem>> -> memref<8x128xf32, #tpu.memory_space<vmem>>
        %dma_wait3A_41 = arith.constant 0 : i32
        %dma_wait3A_42 = tpu.memref_slice %arg5[%add3A_27, %dma_wait3A_41] : memref<80000x128xf32, #tpu.memory_space<hbm>> -> memref<8x128xf32, #tpu.memory_space<hbm>>
        %dma_wait3A_43 = arith.constant 0 : i32
        %dma_wait3A_44 = tpu.memref_slice %arg5[%add3A_27, %dma_wait3A_43] : memref<80000x128xf32, #tpu.memory_space<hbm>> -> memref<8x128xf32, #tpu.memory_space<hbm>>
        %dma_wait3A_45 = arith.constant 0 : i32
        %dma_wait3A_46 = arith.constant 0 : i32
        %dma_wait3A_47 = tpu.memref_slice %arg8[%dma_wait3A_45, %dma_wait3A_46] : memref<128x128xf32, #tpu.memory_space<vmem>> -> memref<8x128xf32, #tpu.memory_space<vmem>>
        tpu.wait_dma2 semaphore(%run_scoped3A : memref<!tpu.dma_semaphore, #tpu.memory_space<semaphore_mem>>) src(%dma_wait3A_47 : memref<8x128xf32, #tpu.memory_space<vmem>>) dst(%dma_wait3A_44 : memref<8x128xf32, #tpu.memory_space<hbm>>)
        tpu.yield
      }) : () -> ()
    } else {
    }
    %eq3A_3 = arith.constant 1 : i32
    %eq3A_4 = arith.cmpi eq, %arg0, %eq3A_3 : i32
    %convert_element_type3A_5 = arith.extui %eq3A_4 : i1 to i32
    %cond3A_6 = arith.constant 0 : i32
    %cond3A_7 = arith.cmpi ne, %convert_element_type3A_5, %cond3A_6 : i32
    scf.if %cond3A_7 {
      "tpu.region"() ({
        %run_scoped3A = tpu.sem_alloc : memref<!tpu.dma_semaphore, #tpu.memory_space<semaphore_mem>>
        %dma_start3A_28 = tpu.memref_slice %arg4[%mul3A_0] : memref<80000xi32, #tpu.memory_space<hbm>> -> memref<5000xi32, #tpu.memory_space<hbm>>
        %dma_start3A_29 = tpu.memref_slice %arg4[%mul3A_0] : memref<80000xi32, #tpu.memory_space<hbm>> -> memref<5000xi32, #tpu.memory_space<hbm>>
        tpu.enqueue_dma source(%dma_start3A_29 : memref<5000xi32, #tpu.memory_space<hbm>>) target(%arg7 : memref<5000xi32, #tpu.memory_space<vmem>>) target_semaphore(%run_scoped3A : memref<!tpu.dma_semaphore, #tpu.memory_space<semaphore_mem>>)
        %dma_wait3A_30 = tpu.memref_slice %arg4[%mul3A_0] : memref<80000xi32, #tpu.memory_space<hbm>> -> memref<5000xi32, #tpu.memory_space<hbm>>
        %dma_wait3A_31 = tpu.memref_slice %arg4[%mul3A_0] : memref<80000xi32, #tpu.memory_space<hbm>> -> memref<5000xi32, #tpu.memory_space<hbm>>
        tpu.wait_dma2 semaphore(%run_scoped3A : memref<!tpu.dma_semaphore, #tpu.memory_space<semaphore_mem>>) src(%dma_wait3A_31 : memref<5000xi32, #tpu.memory_space<hbm>>) dst(%arg7 : memref<5000xi32, #tpu.memory_space<vmem>>)
        tpu.yield
      }) : () -> ()
      %scan3A = arith.constant 0 : i32
      %scan3A_8 = arith.constant 0 : i32
      %scan3A_9 = arith.constant 39 : i32
      %scan3A_10 = arith.addi %scan3A_8, %scan3A_9 : i32
      %scan3A_11 = arith.constant 1 : i32
      scf.for %scan3A_28 = %scan3A_8 to %scan3A_10 step %scan3A_11  : i32 {
        %mul3A_29 = arith.constant 128 : i32
        %mul3A_30 = arith.muli %scan3A_28, %mul3A_29 : i32
        %dma_start3A_31 = tpu.memref_slice %arg7[%mul3A_30] : memref<5000xi32, #tpu.memory_space<vmem>> -> memref<128xi32, #tpu.memory_space<vmem>>
        %dma_start3A_32 = arith.constant 0 : i32
        %dma_start3A_33 = arith.constant 0 : i32
        %dma_start3A_34 = tpu.memref_slice %arg2[%dma_start3A_32, %dma_start3A_33] : memref<10000x128xf32, #tpu.memory_space<hbm>> -> memref<10000x128xf32, #tpu.memory_space<hbm>>
        tpu.enqueue_indirect_dma source(%dma_start3A_34 : memref<10000x128xf32, #tpu.memory_space<hbm>>) target(%arg8 : memref<128x128xf32, #tpu.memory_space<vmem>>) offsets(%dma_start3A_31 : memref<128xi32, #tpu.memory_space<vmem>>) semaphore(%arg9 : memref<!tpu.dma_semaphore, #tpu.memory_space<semaphore_mem>>)
        %dma_wait3A_35 = tpu.memref_slice %arg7[%mul3A_30] : memref<5000xi32, #tpu.memory_space<vmem>> -> memref<128xi32, #tpu.memory_space<vmem>>
        %dma_wait3A_36 = arith.constant 0 : i32
        %dma_wait3A_37 = arith.constant 0 : i32
        %dma_wait3A_38 = tpu.memref_slice %arg2[%dma_wait3A_36, %dma_wait3A_37] : memref<10000x128xf32, #tpu.memory_space<hbm>> -> memref<10000x128xf32, #tpu.memory_space<hbm>>
        tpu.wait_indirect_dma semaphore(%arg9 : memref<!tpu.dma_semaphore, #tpu.memory_space<semaphore_mem>>) src(%dma_wait3A_38 : memref<10000x128xf32, #tpu.memory_space<hbm>>) dst(%arg8 : memref<128x128xf32, #tpu.memory_space<vmem>>)
        %add3A_39 = arith.addi %mul3A_0, %mul3A_30 : i32
        "tpu.region"() ({
          %run_scoped3A = tpu.sem_alloc : memref<!tpu.dma_semaphore, #tpu.memory_space<semaphore_mem>>
          %dma_start3A_40 = arith.constant 0 : i32
          %dma_start3A_41 = tpu.memref_slice %arg6[%add3A_39, %dma_start3A_40] : memref<80000x128xf32, #tpu.memory_space<hbm>> -> memref<128x128xf32, #tpu.memory_space<hbm>>
          %dma_start3A_42 = arith.constant 0 : i32
          %dma_start3A_43 = tpu.memref_slice %arg6[%add3A_39, %dma_start3A_42] : memref<80000x128xf32, #tpu.memory_space<hbm>> -> memref<128x128xf32, #tpu.memory_space<hbm>>
          tpu.enqueue_dma source(%arg8 : memref<128x128xf32, #tpu.memory_space<vmem>>) target(%dma_start3A_43 : memref<128x128xf32, #tpu.memory_space<hbm>>) target_semaphore(%run_scoped3A : memref<!tpu.dma_semaphore, #tpu.memory_space<semaphore_mem>>)
          %dma_wait3A_44 = arith.constant 0 : i32
          %dma_wait3A_45 = tpu.memref_slice %arg6[%add3A_39, %dma_wait3A_44] : memref<80000x128xf32, #tpu.memory_space<hbm>> -> memref<128x128xf32, #tpu.memory_space<hbm>>
          %dma_wait3A_46 = arith.constant 0 : i32
          %dma_wait3A_47 = tpu.memref_slice %arg6[%add3A_39, %dma_wait3A_46] : memref<80000x128xf32, #tpu.memory_space<hbm>> -> memref<128x128xf32, #tpu.memory_space<hbm>>
          tpu.wait_dma2 semaphore(%run_scoped3A : memref<!tpu.dma_semaphore, #tpu.memory_space<semaphore_mem>>) src(%arg8 : memref<128x128xf32, #tpu.memory_space<vmem>>) dst(%dma_wait3A_47 : memref<128x128xf32, #tpu.memory_space<hbm>>)
          tpu.yield
        }) : () -> ()
      }
      %scan3A_12 = arith.constant 39 : i32
      %dma_start3A = arith.constant 0 : i32
      %dma_start3A_13 = arith.constant 0 : i32
      %dma_start3A_14 = tpu.memref_slice %arg8[%dma_start3A, %dma_start3A_13] : memref<128x128xf32, #tpu.memory_space<vmem>> -> memref<8x128xf32, #tpu.memory_space<vmem>>
      %dma_start3A_15 = arith.constant 4992 : i32
      %dma_start3A_16 = tpu.memref_slice %arg7[%dma_start3A_15] : memref<5000xi32, #tpu.memory_space<vmem>> -> memref<8xi32, #tpu.memory_space<vmem>>
      %dma_start3A_17 = arith.constant 0 : i32
      %dma_start3A_18 = arith.constant 0 : i32
      %dma_start3A_19 = tpu.memref_slice %arg2[%dma_start3A_17, %dma_start3A_18] : memref<10000x128xf32, #tpu.memory_space<hbm>> -> memref<10000x128xf32, #tpu.memory_space<hbm>>
      tpu.enqueue_indirect_dma source(%dma_start3A_19 : memref<10000x128xf32, #tpu.memory_space<hbm>>) target(%dma_start3A_14 : memref<8x128xf32, #tpu.memory_space<vmem>>) offsets(%dma_start3A_16 : memref<8xi32, #tpu.memory_space<vmem>>) semaphore(%arg9 : memref<!tpu.dma_semaphore, #tpu.memory_space<semaphore_mem>>)
      %dma_wait3A = arith.constant 0 : i32
      %dma_wait3A_20 = arith.constant 0 : i32
      %dma_wait3A_21 = tpu.memref_slice %arg8[%dma_wait3A, %dma_wait3A_20] : memref<128x128xf32, #tpu.memory_space<vmem>> -> memref<8x128xf32, #tpu.memory_space<vmem>>
      %dma_wait3A_22 = arith.constant 4992 : i32
      %dma_wait3A_23 = tpu.memref_slice %arg7[%dma_wait3A_22] : memref<5000xi32, #tpu.memory_space<vmem>> -> memref<8xi32, #tpu.memory_space<vmem>>
      %dma_wait3A_24 = arith.constant 0 : i32
      %dma_wait3A_25 = arith.constant 0 : i32
      %dma_wait3A_26 = tpu.memref_slice %arg2[%dma_wait3A_24, %dma_wait3A_25] : memref<10000x128xf32, #tpu.memory_space<hbm>> -> memref<10000x128xf32, #tpu.memory_space<hbm>>
      tpu.wait_indirect_dma semaphore(%arg9 : memref<!tpu.dma_semaphore, #tpu.memory_space<semaphore_mem>>) src(%dma_wait3A_26 : memref<10000x128xf32, #tpu.memory_space<hbm>>) dst(%dma_wait3A_21 : memref<8x128xf32, #tpu.memory_space<vmem>>)
      %add3A = arith.constant 4992 : i32
      %add3A_27 = arith.addi %mul3A_0, %add3A : i32
      "tpu.region"() ({
        %run_scoped3A = tpu.sem_alloc : memref<!tpu.dma_semaphore, #tpu.memory_space<semaphore_mem>>
        %dma_start3A_28 = arith.constant 0 : i32
        %dma_start3A_29 = arith.constant 0 : i32
        %dma_start3A_30 = tpu.memref_slice %arg8[%dma_start3A_28, %dma_start3A_29] : memref<128x128xf32, #tpu.memory_space<vmem>> -> memref<8x128xf32, #tpu.memory_space<vmem>>
        %dma_start3A_31 = arith.constant 0 : i32
        %dma_start3A_32 = tpu.memref_slice %arg6[%add3A_27, %dma_start3A_31] : memref<80000x128xf32, #tpu.memory_space<hbm>> -> memref<8x128xf32, #tpu.memory_space<hbm>>
        %dma_start3A_33 = arith.constant 0 : i32
        %dma_start3A_34 = tpu.memref_slice %arg6[%add3A_27, %dma_start3A_33] : memref<80000x128xf32, #tpu.memory_space<hbm>> -> memref<8x128xf32, #tpu.memory_space<hbm>>
        %dma_start3A_35 = arith.constant 0 : i32
        %dma_start3A_36 = arith.constant 0 : i32
        %dma_start3A_37 = tpu.memref_slice %arg8[%dma_start3A_35, %dma_start3A_36] : memref<128x128xf32, #tpu.memory_space<vmem>> -> memref<8x128xf32, #tpu.memory_space<vmem>>
        tpu.enqueue_dma source(%dma_start3A_37 : memref<8x128xf32, #tpu.memory_space<vmem>>) target(%dma_start3A_34 : memref<8x128xf32, #tpu.memory_space<hbm>>) target_semaphore(%run_scoped3A : memref<!tpu.dma_semaphore, #tpu.memory_space<semaphore_mem>>)
        %dma_wait3A_38 = arith.constant 0 : i32
        %dma_wait3A_39 = arith.constant 0 : i32
        %dma_wait3A_40 = tpu.memref_slice %arg8[%dma_wait3A_38, %dma_wait3A_39] : memref<128x128xf32, #tpu.memory_space<vmem>> -> memref<8x128xf32, #tpu.memory_space<vmem>>
        %dma_wait3A_41 = arith.constant 0 : i32
        %dma_wait3A_42 = tpu.memref_slice %arg6[%add3A_27, %dma_wait3A_41] : memref<80000x128xf32, #tpu.memory_space<hbm>> -> memref<8x128xf32, #tpu.memory_space<hbm>>
        %dma_wait3A_43 = arith.constant 0 : i32
        %dma_wait3A_44 = tpu.memref_slice %arg6[%add3A_27, %dma_wait3A_43] : memref<80000x128xf32, #tpu.memory_space<hbm>> -> memref<8x128xf32, #tpu.memory_space<hbm>>
        %dma_wait3A_45 = arith.constant 0 : i32
        %dma_wait3A_46 = arith.constant 0 : i32
        %dma_wait3A_47 = tpu.memref_slice %arg8[%dma_wait3A_45, %dma_wait3A_46] : memref<128x128xf32, #tpu.memory_space<vmem>> -> memref<8x128xf32, #tpu.memory_space<vmem>>
        tpu.wait_dma2 semaphore(%run_scoped3A : memref<!tpu.dma_semaphore, #tpu.memory_space<semaphore_mem>>) src(%dma_wait3A_47 : memref<8x128xf32, #tpu.memory_space<vmem>>) dst(%dma_wait3A_44 : memref<8x128xf32, #tpu.memory_space<hbm>>)
        tpu.yield
      }) : () -> ()
    } else {
    }
    return
  }
}

module attributes {stable_mosaic.version = 14 : i64} {
  func.func @_edge_kernel(%arg0: i32, %arg1: memref<2000x128xf32, #tpu.memory_space<vmem>>, %arg2: memref<2000x128xf32, #tpu.memory_space<vmem>>, %arg3: memref<2000x128xf32, #tpu.memory_space<vmem>>, %arg4: memref<1x1x1x2000xi32, #tpu.memory_space<vmem>>, %arg5: memref<1x1x1x2000xi32, #tpu.memory_space<vmem>>, %arg6: memref<16x128xf32, #tpu.memory_space<vmem>>, %arg7: memref<384x128xbf16, #tpu.memory_space<vmem>>, %arg8: memref<128x128xf32, #tpu.memory_space<vmem>>, %arg9: memref<1x128xf32, #tpu.memory_space<vmem>>, %arg10: memref<384x128xbf16, #tpu.memory_space<vmem>>, %arg11: memref<1x128xf32, #tpu.memory_space<vmem>>, %arg12: memref<128x128xbf16, #tpu.memory_space<vmem>>, %arg13: memref<256x128xbf16, #tpu.memory_space<vmem>>, %arg14: memref<1x128xf32, #tpu.memory_space<vmem>>, %arg15: memref<128x128xbf16, #tpu.memory_space<vmem>>, %arg16: memref<128x128xf32, #tpu.memory_space<vmem>>, %arg17: memref<1x128xf32, #tpu.memory_space<vmem>>, %arg18: memref<128x128xbf16, #tpu.memory_space<vmem>>, %arg19: memref<1x2000xbf16, #tpu.memory_space<vmem>>, %arg20: memref<2000x128xf32, #tpu.memory_space<vmem>>, %arg21: memref<1x640x144xf32, #tpu.memory_space<vmem>>, %arg22: memref<1x640x144xf32, #tpu.memory_space<vmem>>, %arg23: memref<16x144xf32, #tpu.memory_space<vmem>>, %arg24: memref<16x144xf32, #tpu.memory_space<vmem>>) attributes {dimension_semantics = [#tpu.dimension_semantics<arbitrary>], iteration_bounds = array<i64: 40>, scalar_prefetch = 0 : i64, scratch_operands = 1 : i64, tpu.core_type = #tpu.core_type<tc>, window_params = [{transform_indices = @transform_0, window_bounds = array<i64: 2000, 128>}, {transform_indices = @transform_1, window_bounds = array<i64: 2000, 128>}, {transform_indices = @transform_2, window_bounds = array<i64: 2000, 128>}, {transform_indices = @transform_3, window_bounds = array<i64: 1, 1, 1, 2000>}, {transform_indices = @transform_4, window_bounds = array<i64: 1, 1, 1, 2000>}, {pipeline_mode = #tpu.pipeline_mode<synchronous>, transform_indices = @transform_5, window_bounds = array<i64: 16, 128>}, {pipeline_mode = #tpu.pipeline_mode<synchronous>, transform_indices = @transform_6, window_bounds = array<i64: 384, 128>}, {pipeline_mode = #tpu.pipeline_mode<synchronous>, transform_indices = @transform_7, window_bounds = array<i64: 128, 128>}, {pipeline_mode = #tpu.pipeline_mode<synchronous>, transform_indices = @transform_8, window_bounds = array<i64: 1, 128>}, {pipeline_mode = #tpu.pipeline_mode<synchronous>, transform_indices = @transform_9, window_bounds = array<i64: 384, 128>}, {pipeline_mode = #tpu.pipeline_mode<synchronous>, transform_indices = @transform_10, window_bounds = array<i64: 1, 128>}, {pipeline_mode = #tpu.pipeline_mode<synchronous>, transform_indices = @transform_11, window_bounds = array<i64: 128, 128>}, {pipeline_mode = #tpu.pipeline_mode<synchronous>, transform_indices = @transform_12, window_bounds = array<i64: 256, 128>}, {pipeline_mode = #tpu.pipeline_mode<synchronous>, transform_indices = @transform_13, window_bounds = array<i64: 1, 128>}, {pipeline_mode = #tpu.pipeline_mode<synchronous>, transform_indices = @transform_14, window_bounds = array<i64: 128, 128>}, {pipeline_mode = #tpu.pipeline_mode<synchronous>, transform_indices = @transform_15, window_bounds = array<i64: 128, 128>}, {pipeline_mode = #tpu.pipeline_mode<synchronous>, transform_indices = @transform_16, window_bounds = array<i64: 1, 128>}, {pipeline_mode = #tpu.pipeline_mode<synchronous>, transform_indices = @transform_17, window_bounds = array<i64: 128, 128>}, {pipeline_mode = #tpu.pipeline_mode<synchronous>, transform_indices = @transform_18, window_bounds = array<i64: 1, 2000>}, {transform_indices = @transform_19, window_bounds = array<i64: 2000, 128>}, {transform_indices = @transform_20, window_bounds = array<i64: 1, 640, 144>}, {transform_indices = @transform_21, window_bounds = array<i64: 1, 640, 144>}, {pipeline_mode = #tpu.pipeline_mode<synchronous>, transform_indices = @transform_22, window_bounds = array<i64: 16, 144>}]} {
    %jit3A = arith.constant 5 : i32
    %div3A = arith.divsi %arg0, %jit3A : i32
    %sign3A = arith.constant 0 : i32
    %sign3A_0 = arith.cmpi sgt, %arg0, %sign3A : i32
    %sign3A_1 = arith.extui %sign3A_0 : i1 to i32
    %sign3A_2 = arith.constant 0 : i32
    %sign3A_3 = arith.cmpi slt, %arg0, %sign3A_2 : i32
    %sign3A_4 = arith.extui %sign3A_3 : i1 to i32
    %sign3A_5 = arith.subi %sign3A_1, %sign3A_4 : i32
    %sign3A_6 = arith.constant 0 : i32
    %sign3A_7 = arith.cmpi sgt, %jit3A, %sign3A_6 : i32
    %sign3A_8 = arith.extui %sign3A_7 : i1 to i32
    %sign3A_9 = arith.constant 0 : i32
    %sign3A_10 = arith.cmpi slt, %jit3A, %sign3A_9 : i32
    %sign3A_11 = arith.extui %sign3A_10 : i1 to i32
    %sign3A_12 = arith.subi %sign3A_8, %sign3A_11 : i32
    %ne3A = arith.cmpi ne, %sign3A_5, %sign3A_12 : i32
    %rem3A = arith.remsi %arg0, %jit3A : i32
    %ne3A_13 = arith.constant 0 : i32
    %ne3A_14 = arith.cmpi ne, %rem3A, %ne3A_13 : i32
    %and3A = arith.andi %ne3A, %ne3A_14 : i1
    %sub3A = arith.constant 1 : i32
    %sub3A_15 = arith.subi %div3A, %sub3A : i32
    %select_n3A = arith.select %and3A, %sub3A_15, %div3A : i32
    %add3A = arith.constant 0 : i32
    %add3A_16 = arith.addi %add3A, %select_n3A : i32
    %eq3A = arith.constant 0 : i32
    %eq3A_17 = arith.cmpi eq, %arg0, %eq3A : i32
    %convert_element_type3A = arith.extui %eq3A_17 : i1 to i32
    %cond3A = arith.constant 0 : i32
    %cond3A_18 = arith.cmpi ne, %convert_element_type3A, %cond3A : i32
    scf.if %cond3A_18 {
      %broadcast_in_dim3A_264 = arith.constant 0.000000e+00 : f32
      %broadcast_in_dim3A_265 = vector.broadcast %broadcast_in_dim3A_264 : f32 to vector<16x144xf32>
      %swap3A_266 = arith.constant 0 : index
      %swap3A_267 = arith.constant 0 : index
      %swap3A_268 = vector.load %arg24[%swap3A_266, %swap3A_267] : memref<16x144xf32, #tpu.memory_space<vmem>>, vector<16x144xf32>
      tpu.vector_store %arg24[%swap3A_266, %swap3A_267], %broadcast_in_dim3A_265 {strides = array<i32>} : memref<16x144xf32, #tpu.memory_space<vmem>>, vector<16x144xf32>,
    } else {
    }
    %jit3A_19 = arith.constant 5 : i32
    %eq3A_20 = arith.constant 0 : i32
    %eq3A_21 = arith.cmpi eq, %jit3A_19, %eq3A_20 : i32
    %jit3A_22 = arith.constant 1 : i32
    %select_n3A_23 = arith.select %eq3A_21, %jit3A_22, %jit3A_19 : i32
    %rem3A_24 = arith.remsi %arg0, %select_n3A_23 : i32
    %ne3A_25 = arith.constant 0 : i32
    %ne3A_26 = arith.cmpi ne, %rem3A_24, %ne3A_25 : i32
    %lt3A = arith.constant 0 : i32
    %lt3A_27 = arith.cmpi slt, %rem3A_24, %lt3A : i32
    %lt3A_28 = arith.constant 0 : i32
    %lt3A_29 = arith.cmpi slt, %select_n3A_23, %lt3A_28 : i32
    %ne3A_30 = arith.xori %lt3A_27, %lt3A_29 : i1
    %and3A_31 = arith.andi %ne3A_30, %ne3A_26 : i1
    %add3A_32 = arith.addi %rem3A_24, %select_n3A_23 : i32
    %select_n3A_33 = arith.select %and3A_31, %add3A_32, %rem3A_24 : i32
    %eq3A_34 = arith.constant 0 : i32
    %eq3A_35 = arith.cmpi eq, %select_n3A_33, %eq3A_34 : i32
    %convert_element_type3A_36 = arith.extui %eq3A_35 : i1 to i32
    %cond3A_37 = arith.constant 0 : i32
    %cond3A_38 = arith.cmpi ne, %convert_element_type3A_36, %cond3A_37 : i32
    scf.if %cond3A_38 {
      %broadcast_in_dim3A_264 = arith.constant 0.000000e+00 : f32
      %broadcast_in_dim3A_265 = vector.broadcast %broadcast_in_dim3A_264 : f32 to vector<1x640x144xf32>
      %swap3A_266 = arith.constant 0 : index
      %swap3A_267 = arith.constant 0 : index
      %swap3A_268 = arith.constant 0 : index
      %swap3A_269 = vector.load %arg21[%swap3A_266, %swap3A_267, %swap3A_268] : memref<1x640x144xf32, #tpu.memory_space<vmem>>, vector<1x640x144xf32>
      tpu.vector_store %arg21[%swap3A_266, %swap3A_267, %swap3A_268], %broadcast_in_dim3A_265 {strides = array<i32>} : memref<1x640x144xf32, #tpu.memory_space<vmem>>, vector<1x640x144xf32>,
      %broadcast_in_dim3A_270 = arith.constant 0.000000e+00 : f32
      %broadcast_in_dim3A_271 = vector.broadcast %broadcast_in_dim3A_270 : f32 to vector<1x640x144xf32>
      %swap3A_272 = arith.constant 0 : index
      %swap3A_273 = arith.constant 0 : index
      %swap3A_274 = arith.constant 0 : index
      %swap3A_275 = vector.load %arg22[%swap3A_272, %swap3A_273, %swap3A_274] : memref<1x640x144xf32, #tpu.memory_space<vmem>>, vector<1x640x144xf32>
      tpu.vector_store %arg22[%swap3A_272, %swap3A_273, %swap3A_274], %broadcast_in_dim3A_271 {strides = array<i32>} : memref<1x640x144xf32, #tpu.memory_space<vmem>>, vector<1x640x144xf32>,
    } else {
    }
    %get3A = arith.constant 0 : index
    %get3A_39 = arith.constant 0 : index
    %get3A_40 = vector.load %arg1[%get3A, %get3A_39] : memref<2000x128xf32, #tpu.memory_space<vmem>>, vector<2000x128xf32>
    %convert_element_type3A_41 = arith.truncf %get3A_40 : vector<2000x128xf32> to vector<2000x128xbf16>
    %get3A_42 = arith.constant 0 : index
    %get3A_43 = arith.constant 0 : index
    %get3A_44 = vector.load %arg2[%get3A_42, %get3A_43] : memref<2000x128xf32, #tpu.memory_space<vmem>>, vector<2000x128xf32>
    %convert_element_type3A_45 = arith.truncf %get3A_44 : vector<2000x128xf32> to vector<2000x128xbf16>
    %get3A_46 = arith.constant 0 : index
    %get3A_47 = arith.constant 0 : index
    %get3A_48 = vector.load %arg3[%get3A_46, %get3A_47] : memref<2000x128xf32, #tpu.memory_space<vmem>>, vector<2000x128xf32>
    %convert_element_type3A_49 = arith.truncf %get3A_48 : vector<2000x128xf32> to vector<2000x128xbf16>
    %get3A_50 = arith.index_cast %add3A_16 : i32 to index
    %get3A_51 = arith.constant 0 : index
    %get3A_52 = vector.load %arg6[%get3A_50, %get3A_51] : memref<16x128xf32, #tpu.memory_space<vmem>>, vector<1x128xf32>
    %get3A_53 = arith.constant 0 : index
    %get3A_54 = arith.constant 0 : index
    %get3A_55 = vector.load %arg8[%get3A_53, %get3A_54] : memref<128x128xf32, #tpu.memory_space<vmem>>, vector<128x128xf32>
    %dot_general3A = arith.constant dense<0.000000e+00> : vector<1x128xf32>
    %dot_general3A_56 = tpu.matmul %get3A_52, %get3A_55, %dot_general3A {dimension_numbers = #tpu.dot_dimension_numbers<[1], [0], [0], [1], [0, 0, 1, 1], [], []>, transpose_lhs_hint = false} : vector<1x128xf32>, vector<128x128xf32>, vector<1x128xf32> -> vector<1x128xf32>
    %get3A_57 = arith.constant 0 : index
    %get3A_58 = arith.constant 0 : index
    %get3A_59 = vector.load %arg9[%get3A_57, %get3A_58] : memref<1x128xf32, #tpu.memory_space<vmem>>, vector<1x128xf32>
    %add3A_60 = arith.addf %dot_general3A_56, %get3A_59 : vector<1x128xf32>
    %concatenate3A = tpu.concatenate %convert_element_type3A_41, %convert_element_type3A_45, %convert_element_type3A_49 in 1 : vector<2000x128xbf16>, vector<2000x128xbf16>, vector<2000x128xbf16> -> vector<2000x384xbf16>
    %get3A_61 = arith.constant 0 : index
    %get3A_62 = arith.constant 0 : index
    %get3A_63 = vector.load %arg7[%get3A_61, %get3A_62] : memref<384x128xbf16, #tpu.memory_space<vmem>>, vector<384x128xbf16>
    %dot_general3A_64 = arith.constant dense<0.000000e+00> : vector<2000x128xf32>
    %dot_general3A_65 = tpu.matmul %concatenate3A, %get3A_63, %dot_general3A_64 {dimension_numbers = #tpu.dot_dimension_numbers<[1], [0], [0], [1], [0, 0, 1, 1], [], []>, transpose_lhs_hint = false} : vector<2000x384xbf16>, vector<384x128xbf16>, vector<2000x128xf32> -> vector<2000x128xf32>
    %add3A_66 = vector.broadcast %add3A_60 : vector<1x128xf32> to vector<2000x128xf32>
    %add3A_67 = arith.addf %dot_general3A_65, %add3A_66 : vector<2000x128xf32>
    %swap3A = arith.constant 0 : index
    %swap3A_68 = arith.constant 0 : index
    %swap3A_69 = vector.load %arg20[%swap3A, %swap3A_68] : memref<2000x128xf32, #tpu.memory_space<vmem>>, vector<2000x128xf32>
    tpu.vector_store %arg20[%swap3A, %swap3A_68], %add3A_67 {strides = array<i32>} : memref<2000x128xf32, #tpu.memory_space<vmem>>, vector<2000x128xf32>,
    %convert_element_type3A_70 = arith.truncf %add3A_67 : vector<2000x128xf32> to vector<2000x128xbf16>
    %concatenate3A_71 = tpu.concatenate %convert_element_type3A_45, %convert_element_type3A_49, %convert_element_type3A_70 in 1 : vector<2000x128xbf16>, vector<2000x128xbf16>, vector<2000x128xbf16> -> vector<2000x384xbf16>
    %get3A_72 = arith.constant 0 : index
    %get3A_73 = arith.constant 0 : index
    %get3A_74 = vector.load %arg10[%get3A_72, %get3A_73] : memref<384x128xbf16, #tpu.memory_space<vmem>>, vector<384x128xbf16>
    %dot_general3A_75 = arith.constant dense<0.000000e+00> : vector<2000x128xf32>
    %dot_general3A_76 = tpu.matmul %concatenate3A_71, %get3A_74, %dot_general3A_75 {dimension_numbers = #tpu.dot_dimension_numbers<[1], [0], [0], [1], [0, 0, 1, 1], [], []>, transpose_lhs_hint = false} : vector<2000x384xbf16>, vector<384x128xbf16>, vector<2000x128xf32> -> vector<2000x128xf32>
    %get3A_77 = arith.constant 0 : index
    %get3A_78 = arith.constant 0 : index
    %get3A_79 = vector.load %arg11[%get3A_77, %get3A_78] : memref<1x128xf32, #tpu.memory_space<vmem>>, vector<1x128xf32>
    %add3A_80 = vector.broadcast %get3A_79 : vector<1x128xf32> to vector<2000x128xf32>
    %add3A_81 = arith.addf %dot_general3A_76, %add3A_80 : vector<2000x128xf32>
    %ge3A = arith.constant 0.000000e+00 : f32
    %ge3A_82 = vector.broadcast %ge3A : f32 to vector<2000x128xf32>
    %ge3A_83 = arith.cmpf oge, %add3A_81, %ge3A_82 : vector<2000x128xf32>
    %mul3A = arith.constant 0.00999999977 : f32
    %mul3A_84 = vector.broadcast %mul3A : f32 to vector<2000x128xf32>
    %mul3A_85 = arith.mulf %mul3A_84, %add3A_81 : vector<2000x128xf32>
    %select_n3A_86 = arith.select %ge3A_83, %add3A_81, %mul3A_85 : vector<2000x128xi1>, vector<2000x128xf32>
    %concatenate3A_87 = tpu.concatenate %convert_element_type3A_49, %convert_element_type3A_45, %convert_element_type3A_70 in 1 : vector<2000x128xbf16>, vector<2000x128xbf16>, vector<2000x128xbf16> -> vector<2000x384xbf16>
    %get3A_88 = arith.constant 0 : index
    %get3A_89 = arith.constant 0 : index
    %get3A_90 = vector.load %arg10[%get3A_88, %get3A_89] : memref<384x128xbf16, #tpu.memory_space<vmem>>, vector<384x128xbf16>
    %dot_general3A_91 = arith.constant dense<0.000000e+00> : vector<2000x128xf32>
    %dot_general3A_92 = tpu.matmul %concatenate3A_87, %get3A_90, %dot_general3A_91 {dimension_numbers = #tpu.dot_dimension_numbers<[1], [0], [0], [1], [0, 0, 1, 1], [], []>, transpose_lhs_hint = false} : vector<2000x384xbf16>, vector<384x128xbf16>, vector<2000x128xf32> -> vector<2000x128xf32>
    %get3A_93 = arith.constant 0 : index
    %get3A_94 = arith.constant 0 : index
    %get3A_95 = vector.load %arg11[%get3A_93, %get3A_94] : memref<1x128xf32, #tpu.memory_space<vmem>>, vector<1x128xf32>
    %add3A_96 = vector.broadcast %get3A_95 : vector<1x128xf32> to vector<2000x128xf32>
    %add3A_97 = arith.addf %dot_general3A_92, %add3A_96 : vector<2000x128xf32>
    %ge3A_98 = arith.constant 0.000000e+00 : f32
    %ge3A_99 = vector.broadcast %ge3A_98 : f32 to vector<2000x128xf32>
    %ge3A_100 = arith.cmpf oge, %add3A_97, %ge3A_99 : vector<2000x128xf32>
    %mul3A_101 = arith.constant 0.00999999977 : f32
    %mul3A_102 = vector.broadcast %mul3A_101 : f32 to vector<2000x128xf32>
    %mul3A_103 = arith.mulf %mul3A_102, %add3A_97 : vector<2000x128xf32>
    %select_n3A_104 = arith.select %ge3A_100, %add3A_97, %mul3A_103 : vector<2000x128xi1>, vector<2000x128xf32>
    %convert_element_type3A_105 = arith.truncf %select_n3A_86 : vector<2000x128xf32> to vector<2000x128xbf16>
    %get3A_106 = arith.constant 0 : index
    %get3A_107 = arith.constant 0 : index
    %get3A_108 = vector.load %arg12[%get3A_106, %get3A_107] : memref<128x128xbf16, #tpu.memory_space<vmem>>, vector<128x128xbf16>
    %dot_general3A_109 = arith.constant dense<0.000000e+00> : vector<2000x128xf32>
    %dot_general3A_110 = tpu.matmul %convert_element_type3A_105, %get3A_108, %dot_general3A_109 {dimension_numbers = #tpu.dot_dimension_numbers<[1], [0], [0], [1], [0, 0, 1, 1], [], []>, transpose_lhs_hint = false} : vector<2000x128xbf16>, vector<128x128xbf16>, vector<2000x128xf32> -> vector<2000x128xf32>
    %exp3A = math.exp %dot_general3A_110 : vector<2000x128xf32>
    %convert_element_type3A_111 = arith.truncf %select_n3A_104 : vector<2000x128xf32> to vector<2000x128xbf16>
    %get3A_112 = arith.constant 0 : index
    %get3A_113 = arith.constant 0 : index
    %get3A_114 = vector.load %arg12[%get3A_112, %get3A_113] : memref<128x128xbf16, #tpu.memory_space<vmem>>, vector<128x128xbf16>
    %dot_general3A_115 = arith.constant dense<0.000000e+00> : vector<2000x128xf32>
    %dot_general3A_116 = tpu.matmul %convert_element_type3A_111, %get3A_114, %dot_general3A_115 {dimension_numbers = #tpu.dot_dimension_numbers<[1], [0], [0], [1], [0, 0, 1, 1], [], []>, transpose_lhs_hint = false} : vector<2000x128xbf16>, vector<128x128xbf16>, vector<2000x128xf32> -> vector<2000x128xf32>
    %exp3A_117 = math.exp %dot_general3A_116 : vector<2000x128xf32>
    %concatenate3A_118 = tpu.concatenate %convert_element_type3A_49, %convert_element_type3A_70 in 1 : vector<2000x128xbf16>, vector<2000x128xbf16> -> vector<2000x256xbf16>
    %get3A_119 = arith.constant 0 : index
    %get3A_120 = arith.constant 0 : index
    %get3A_121 = vector.load %arg13[%get3A_119, %get3A_120] : memref<256x128xbf16, #tpu.memory_space<vmem>>, vector<256x128xbf16>
    %dot_general3A_122 = arith.constant dense<0.000000e+00> : vector<2000x128xf32>
    %dot_general3A_123 = tpu.matmul %concatenate3A_118, %get3A_121, %dot_general3A_122 {dimension_numbers = #tpu.dot_dimension_numbers<[1], [0], [0], [1], [0, 0, 1, 1], [], []>, transpose_lhs_hint = false} : vector<2000x256xbf16>, vector<256x128xbf16>, vector<2000x128xf32> -> vector<2000x128xf32>
    %get3A_124 = arith.constant 0 : index
    %get3A_125 = arith.constant 0 : index
    %get3A_126 = vector.load %arg14[%get3A_124, %get3A_125] : memref<1x128xf32, #tpu.memory_space<vmem>>, vector<1x128xf32>
    %add3A_127 = vector.broadcast %get3A_126 : vector<1x128xf32> to vector<2000x128xf32>
    %add3A_128 = arith.addf %dot_general3A_123, %add3A_127 : vector<2000x128xf32>
    %concatenate3A_129 = tpu.concatenate %convert_element_type3A_45, %convert_element_type3A_70 in 1 : vector<2000x128xbf16>, vector<2000x128xbf16> -> vector<2000x256xbf16>
    %get3A_130 = arith.constant 0 : index
    %get3A_131 = arith.constant 0 : index
    %get3A_132 = vector.load %arg13[%get3A_130, %get3A_131] : memref<256x128xbf16, #tpu.memory_space<vmem>>, vector<256x128xbf16>
    %dot_general3A_133 = arith.constant dense<0.000000e+00> : vector<2000x128xf32>
    %dot_general3A_134 = tpu.matmul %concatenate3A_129, %get3A_132, %dot_general3A_133 {dimension_numbers = #tpu.dot_dimension_numbers<[1], [0], [0], [1], [0, 0, 1, 1], [], []>, transpose_lhs_hint = false} : vector<2000x256xbf16>, vector<256x128xbf16>, vector<2000x128xf32> -> vector<2000x128xf32>
    %get3A_135 = arith.constant 0 : index
    %get3A_136 = arith.constant 0 : index
    %get3A_137 = vector.load %arg14[%get3A_135, %get3A_136] : memref<1x128xf32, #tpu.memory_space<vmem>>, vector<1x128xf32>
    %add3A_138 = vector.broadcast %get3A_137 : vector<1x128xf32> to vector<2000x128xf32>
    %add3A_139 = arith.addf %dot_general3A_134, %add3A_138 : vector<2000x128xf32>
    %mul3A_140 = arith.mulf %add3A_128, %exp3A : vector<2000x128xf32>
    %slice3A = vector.extract_strided_slice %exp3A {offsets = [0, 0], sizes = [2000, 8], strides = [1, 1]} : vector<2000x128xf32> to vector<2000x8xf32>
    %slice3A_141 = vector.extract_strided_slice %exp3A {offsets = [0, 64], sizes = [2000, 8], strides = [1, 1]} : vector<2000x128xf32> to vector<2000x8xf32>
    %concatenate3A_142 = tpu.concatenate %mul3A_140, %slice3A, %slice3A_141 in 1 : vector<2000x128xf32>, vector<2000x8xf32>, vector<2000x8xf32> -> vector<2000x144xf32>
    %convert_element_type3A_143 = arith.truncf %concatenate3A_142 : vector<2000x144xf32> to vector<2000x144xbf16>
    %mul3A_144 = arith.mulf %add3A_139, %exp3A_117 : vector<2000x128xf32>
    %slice3A_145 = vector.extract_strided_slice %exp3A_117 {offsets = [0, 0], sizes = [2000, 8], strides = [1, 1]} : vector<2000x128xf32> to vector<2000x8xf32>
    %slice3A_146 = vector.extract_strided_slice %exp3A_117 {offsets = [0, 64], sizes = [2000, 8], strides = [1, 1]} : vector<2000x128xf32> to vector<2000x8xf32>
    %concatenate3A_147 = tpu.concatenate %mul3A_144, %slice3A_145, %slice3A_146 in 1 : vector<2000x128xf32>, vector<2000x8xf32>, vector<2000x8xf32> -> vector<2000x144xf32>
    %convert_element_type3A_148 = arith.truncf %concatenate3A_147 : vector<2000x144xf32> to vector<2000x144xbf16>
    %iota3A = tpu.iota {dimensions = array<i32: 0>} : vector<640x1xi32>
    %get3A_149 = arith.constant 0 : index
    %get3A_150 = arith.constant 0 : index
    %get3A_151 = arith.constant 0 : index
    %get3A_152 = arith.constant 0 : index
    %get3A_153 = vector.load %arg4[%get3A_149, %get3A_150, %get3A_151, %get3A_152] : memref<1x1x1x2000xi32, #tpu.memory_space<vmem>>, vector<1x1x1x2000xi32>
    %get3A_154 = vector.shape_cast %get3A_153 : vector<1x1x1x2000xi32> to vector<2000xi32>
    %reshape3A = vector.shape_cast %get3A_154 : vector<2000xi32> to vector<1x2000xi32>
    %mul3A_155 = arith.constant 625 : i32
    %mul3A_156 = arith.muli %add3A_16, %mul3A_155 : i32
    %sub3A_157 = vector.broadcast %mul3A_156 : i32 to vector<1x2000xi32>
    %sub3A_158 = arith.subi %reshape3A, %sub3A_157 : vector<1x2000xi32>
    %get3A_159 = arith.constant 0 : index
    %get3A_160 = arith.constant 0 : index
    %get3A_161 = arith.constant 0 : index
    %get3A_162 = arith.constant 0 : index
    %get3A_163 = vector.load %arg5[%get3A_159, %get3A_160, %get3A_161, %get3A_162] : memref<1x1x1x2000xi32, #tpu.memory_space<vmem>>, vector<1x1x1x2000xi32>
    %get3A_164 = vector.shape_cast %get3A_163 : vector<1x1x1x2000xi32> to vector<2000xi32>
    %reshape3A_165 = vector.shape_cast %get3A_164 : vector<2000xi32> to vector<1x2000xi32>
    %mul3A_166 = arith.constant 625 : i32
    %mul3A_167 = arith.muli %add3A_16, %mul3A_166 : i32
    %sub3A_168 = vector.broadcast %mul3A_167 : i32 to vector<1x2000xi32>
    %sub3A_169 = arith.subi %reshape3A_165, %sub3A_168 : vector<1x2000xi32>
    %eq3A_170 = vector.broadcast %iota3A : vector<640x1xi32> to vector<640x2000xi32>
    %eq3A_171 = vector.broadcast %sub3A_158 : vector<1x2000xi32> to vector<640x2000xi32>
    %eq3A_172 = arith.cmpi eq, %eq3A_170, %eq3A_171 : vector<640x2000xi32>
    %convert_element_type3A_173 = arith.extui %eq3A_172 : vector<640x2000xi1> to vector<640x2000xi32>
    %convert_element_type3A_174 = arith.sitofp %convert_element_type3A_173 : vector<640x2000xi32> to vector<640x2000xf32>
    %convert_element_type3A_175 = arith.truncf %convert_element_type3A_174 : vector<640x2000xf32> to vector<640x2000xbf16>
    %eq3A_176 = vector.broadcast %iota3A : vector<640x1xi32> to vector<640x2000xi32>
    %eq3A_177 = vector.broadcast %sub3A_169 : vector<1x2000xi32> to vector<640x2000xi32>
    %eq3A_178 = arith.cmpi eq, %eq3A_176, %eq3A_177 : vector<640x2000xi32>
    %convert_element_type3A_179 = arith.extui %eq3A_178 : vector<640x2000xi1> to vector<640x2000xi32>
    %convert_element_type3A_180 = arith.sitofp %convert_element_type3A_179 : vector<640x2000xi32> to vector<640x2000xf32>
    %convert_element_type3A_181 = arith.truncf %convert_element_type3A_180 : vector<640x2000xf32> to vector<640x2000xbf16>
    %get3A_182 = arith.constant 0 : index
    %get3A_183 = arith.constant 0 : index
    %get3A_184 = arith.constant 0 : index
    %get3A_185 = vector.load %arg21[%get3A_182, %get3A_183, %get3A_184] : memref<1x640x144xf32, #tpu.memory_space<vmem>>, vector<1x640x144xf32>
    %dot_general3A_186 = arith.constant dense<0.000000e+00> : vector<640x144xf32>
    %dot_general3A_187 = tpu.matmul %convert_element_type3A_175, %convert_element_type3A_143, %dot_general3A_186 {dimension_numbers = #tpu.dot_dimension_numbers<[1], [0], [0], [1], [0, 0, 1, 1], [], []>, transpose_lhs_hint = false} : vector<640x2000xbf16>, vector<2000x144xbf16>, vector<640x144xf32> -> vector<640x144xf32>
    %broadcast_in_dim3A = vector.shape_cast %dot_general3A_187 : vector<640x144xf32> to vector<1x640x144xf32>
    %add3A_188 = arith.addf %get3A_185, %broadcast_in_dim3A : vector<1x640x144xf32>
    %swap3A_189 = arith.constant 0 : index
    %swap3A_190 = arith.constant 0 : index
    %swap3A_191 = arith.constant 0 : index
    %swap3A_192 = vector.load %arg21[%swap3A_189, %swap3A_190, %swap3A_191] : memref<1x640x144xf32, #tpu.memory_space<vmem>>, vector<1x640x144xf32>
    tpu.vector_store %arg21[%swap3A_189, %swap3A_190, %swap3A_191], %add3A_188 {strides = array<i32>} : memref<1x640x144xf32, #tpu.memory_space<vmem>>, vector<1x640x144xf32>,
    %get3A_193 = arith.constant 0 : index
    %get3A_194 = arith.constant 0 : index
    %get3A_195 = arith.constant 0 : index
    %get3A_196 = vector.load %arg22[%get3A_193, %get3A_194, %get3A_195] : memref<1x640x144xf32, #tpu.memory_space<vmem>>, vector<1x640x144xf32>
    %dot_general3A_197 = arith.constant dense<0.000000e+00> : vector<640x144xf32>
    %dot_general3A_198 = tpu.matmul %convert_element_type3A_181, %convert_element_type3A_148, %dot_general3A_197 {dimension_numbers = #tpu.dot_dimension_numbers<[1], [0], [0], [1], [0, 0, 1, 1], [], []>, transpose_lhs_hint = false} : vector<640x2000xbf16>, vector<2000x144xbf16>, vector<640x144xf32> -> vector<640x144xf32>
    %broadcast_in_dim3A_199 = vector.shape_cast %dot_general3A_198 : vector<640x144xf32> to vector<1x640x144xf32>
    %add3A_200 = arith.addf %get3A_196, %broadcast_in_dim3A_199 : vector<1x640x144xf32>
    %swap3A_201 = arith.constant 0 : index
    %swap3A_202 = arith.constant 0 : index
    %swap3A_203 = arith.constant 0 : index
    %swap3A_204 = vector.load %arg22[%swap3A_201, %swap3A_202, %swap3A_203] : memref<1x640x144xf32, #tpu.memory_space<vmem>>, vector<1x640x144xf32>
    tpu.vector_store %arg22[%swap3A_201, %swap3A_202, %swap3A_203], %add3A_200 {strides = array<i32>} : memref<1x640x144xf32, #tpu.memory_space<vmem>>, vector<1x640x144xf32>,
    %get3A_205 = arith.constant 0 : index
    %get3A_206 = arith.constant 0 : index
    %get3A_207 = vector.load %arg16[%get3A_205, %get3A_206] : memref<128x128xf32, #tpu.memory_space<vmem>>, vector<128x128xf32>
    %dot_general3A_208 = arith.constant dense<0.000000e+00> : vector<1x128xf32>
    %dot_general3A_209 = tpu.matmul %get3A_52, %get3A_207, %dot_general3A_208 {dimension_numbers = #tpu.dot_dimension_numbers<[1], [0], [0], [1], [0, 0, 1, 1], [], []>, transpose_lhs_hint = false} : vector<1x128xf32>, vector<128x128xf32>, vector<1x128xf32> -> vector<1x128xf32>
    %get3A_210 = arith.constant 0 : index
    %get3A_211 = arith.constant 0 : index
    %get3A_212 = vector.load %arg17[%get3A_210, %get3A_211] : memref<1x128xf32, #tpu.memory_space<vmem>>, vector<1x128xf32>
    %add3A_213 = arith.addf %dot_general3A_209, %get3A_212 : vector<1x128xf32>
    %get3A_214 = arith.constant 0 : index
    %get3A_215 = arith.constant 0 : index
    %get3A_216 = vector.load %arg15[%get3A_214, %get3A_215] : memref<128x128xbf16, #tpu.memory_space<vmem>>, vector<128x128xbf16>
    %dot_general3A_217 = arith.constant dense<0.000000e+00> : vector<2000x128xf32>
    %dot_general3A_218 = tpu.matmul %convert_element_type3A_70, %get3A_216, %dot_general3A_217 {dimension_numbers = #tpu.dot_dimension_numbers<[1], [0], [0], [1], [0, 0, 1, 1], [], []>, transpose_lhs_hint = false} : vector<2000x128xbf16>, vector<128x128xbf16>, vector<2000x128xf32> -> vector<2000x128xf32>
    %add3A_219 = vector.broadcast %add3A_213 : vector<1x128xf32> to vector<2000x128xf32>
    %add3A_220 = arith.addf %dot_general3A_218, %add3A_219 : vector<2000x128xf32>
    %ge3A_221 = arith.constant 0.000000e+00 : f32
    %ge3A_222 = vector.broadcast %ge3A_221 : f32 to vector<2000x128xf32>
    %ge3A_223 = arith.cmpf oge, %add3A_220, %ge3A_222 : vector<2000x128xf32>
    %mul3A_224 = arith.constant 0.00999999977 : f32
    %mul3A_225 = vector.broadcast %mul3A_224 : f32 to vector<2000x128xf32>
    %mul3A_226 = arith.mulf %mul3A_225, %add3A_220 : vector<2000x128xf32>
    %select_n3A_227 = arith.select %ge3A_223, %add3A_220, %mul3A_226 : vector<2000x128xi1>, vector<2000x128xf32>
    %convert_element_type3A_228 = arith.truncf %select_n3A_227 : vector<2000x128xf32> to vector<2000x128xbf16>
    %get3A_229 = arith.constant 0 : index
    %get3A_230 = arith.constant 0 : index
    %get3A_231 = vector.load %arg18[%get3A_229, %get3A_230] : memref<128x128xbf16, #tpu.memory_space<vmem>>, vector<128x128xbf16>
    %dot_general3A_232 = arith.constant dense<0.000000e+00> : vector<2000x128xf32>
    %dot_general3A_233 = tpu.matmul %convert_element_type3A_228, %get3A_231, %dot_general3A_232 {dimension_numbers = #tpu.dot_dimension_numbers<[1], [0], [0], [1], [0, 0, 1, 1], [], []>, transpose_lhs_hint = false} : vector<2000x128xbf16>, vector<128x128xbf16>, vector<2000x128xf32> -> vector<2000x128xf32>
    %exp3A_234 = math.exp %dot_general3A_233 : vector<2000x128xf32>
    %mul3A_235 = arith.mulf %exp3A_234, %add3A_67 : vector<2000x128xf32>
    %slice3A_236 = vector.extract_strided_slice %exp3A_234 {offsets = [0, 0], sizes = [2000, 8], strides = [1, 1]} : vector<2000x128xf32> to vector<2000x8xf32>
    %slice3A_237 = vector.extract_strided_slice %exp3A_234 {offsets = [0, 64], sizes = [2000, 8], strides = [1, 1]} : vector<2000x128xf32> to vector<2000x8xf32>
    %concatenate3A_238 = tpu.concatenate %mul3A_235, %slice3A_236, %slice3A_237 in 1 : vector<2000x128xf32>, vector<2000x8xf32>, vector<2000x8xf32> -> vector<2000x144xf32>
    %get3A_239 = arith.constant 0 : index
    %get3A_240 = arith.constant 0 : index
    %get3A_241 = vector.load %arg19[%get3A_239, %get3A_240] : memref<1x2000xbf16, #tpu.memory_space<vmem>>, vector<1x2000xbf16>
    %convert_element_type3A_242 = arith.truncf %concatenate3A_238 : vector<2000x144xf32> to vector<2000x144xbf16>
    %dot_general3A_243 = arith.constant dense<0.000000e+00> : vector<1x144xf32>
    %dot_general3A_244 = tpu.matmul %get3A_241, %convert_element_type3A_242, %dot_general3A_243 {dimension_numbers = #tpu.dot_dimension_numbers<[1], [0], [0], [1], [0, 0, 1, 1], [], []>, transpose_lhs_hint = false} : vector<1x2000xbf16>, vector<2000x144xbf16>, vector<1x144xf32> -> vector<1x144xf32>
    %iota3A_245 = tpu.iota {dimensions = array<i32: 1>} : vector<1x16xi32>
    %eq3A_246 = vector.broadcast %add3A_16 : i32 to vector<1x16xi32>
    %eq3A_247 = arith.cmpi eq, %iota3A_245, %eq3A_246 : vector<1x16xi32>
    %convert_element_type3A_248 = arith.extui %eq3A_247 : vector<1x16xi1> to vector<1x16xi32>
    %convert_element_type3A_249 = arith.sitofp %convert_element_type3A_248 : vector<1x16xi32> to vector<1x16xf32>
    %get3A_250 = arith.constant 0 : index
    %get3A_251 = arith.constant 0 : index
    %get3A_252 = vector.load %arg24[%get3A_250, %get3A_251] : memref<16x144xf32, #tpu.memory_space<vmem>>, vector<16x144xf32>
    %dot_general3A_253 = arith.constant dense<0.000000e+00> : vector<16x144xf32>
    %dot_general3A_254 = tpu.matmul %convert_element_type3A_249, %dot_general3A_244, %dot_general3A_253 {dimension_numbers = #tpu.dot_dimension_numbers<[0], [0], [1], [1], [0, 1, 1, 1], [], []>, transpose_lhs_hint = false} : vector<1x16xf32>, vector<1x144xf32>, vector<16x144xf32> -> vector<16x144xf32>
    %add3A_255 = arith.addf %get3A_252, %dot_general3A_254 : vector<16x144xf32>
    %swap3A_256 = arith.constant 0 : index
    %swap3A_257 = arith.constant 0 : index
    %swap3A_258 = vector.load %arg24[%swap3A_256, %swap3A_257] : memref<16x144xf32, #tpu.memory_space<vmem>>, vector<16x144xf32>
    tpu.vector_store %arg24[%swap3A_256, %swap3A_257], %add3A_255 {strides = array<i32>} : memref<16x144xf32, #tpu.memory_space<vmem>>, vector<16x144xf32>,
    %eq3A_259 = arith.constant 39 : i32
    %eq3A_260 = arith.cmpi eq, %arg0, %eq3A_259 : i32
    %convert_element_type3A_261 = arith.extui %eq3A_260 : i1 to i32
    %cond3A_262 = arith.constant 0 : i32
    %cond3A_263 = arith.cmpi ne, %convert_element_type3A_261, %cond3A_262 : i32
    scf.if %cond3A_263 {
      %get3A_264 = arith.constant 0 : index
      %get3A_265 = arith.constant 0 : index
      %get3A_266 = vector.load %arg24[%get3A_264, %get3A_265] : memref<16x144xf32, #tpu.memory_space<vmem>>, vector<16x144xf32>
      %swap3A_267 = arith.constant 0 : index
      %swap3A_268 = arith.constant 0 : index
      %swap3A_269 = vector.load %arg23[%swap3A_267, %swap3A_268] : memref<16x144xf32, #tpu.memory_space<vmem>>, vector<16x144xf32>
      tpu.vector_store %arg23[%swap3A_267, %swap3A_268], %get3A_266 {strides = array<i32>} : memref<16x144xf32, #tpu.memory_space<vmem>>, vector<16x144xf32>,
    } else {
    }
    return
  }
  func.func @transform_0(%arg0: i32) -> (i32, i32) {
    %add3A = arith.constant 0 : i32
    %add3A_0 = arith.addi %arg0, %add3A : i32
    %c0_i32 = arith.constant 0 : i32
    %c0_i32_1 = arith.constant 0 : i32
    return %add3A_0, %c0_i32 : i32, i32
  }
  func.func @transform_1(%arg0: i32) -> (i32, i32) {
    %c0_i32 = arith.constant 0 : i32
    %c0_i32_0 = arith.constant 0 : i32
    return %arg0, %c0_i32 : i32, i32
  }
  func.func @transform_2(%arg0: i32) -> (i32, i32) {
    %c0_i32 = arith.constant 0 : i32
    %c0_i32_0 = arith.constant 0 : i32
    return %arg0, %c0_i32 : i32, i32
  }
  func.func @transform_3(%arg0: i32) -> (i32, i32, i32, i32) {
    %add3A = arith.constant 0 : i32
    %add3A_0 = arith.addi %arg0, %add3A : i32
    %c0_i32 = arith.constant 0 : i32
    %c0_i32_1 = arith.constant 0 : i32
    %c0_i32_2 = arith.constant 0 : i32
    %c0_i32_3 = arith.constant 0 : i32
    return %c0_i32, %add3A_0, %c0_i32_1, %c0_i32_2 : i32, i32, i32, i32
  }
  func.func @transform_4(%arg0: i32) -> (i32, i32, i32, i32) {
    %add3A = arith.constant 0 : i32
    %add3A_0 = arith.addi %arg0, %add3A : i32
    %c1_i32 = arith.constant 1 : i32
    %c0_i32 = arith.constant 0 : i32
    %c0_i32_1 = arith.constant 0 : i32
    %c0_i32_2 = arith.constant 0 : i32
    return %c1_i32, %add3A_0, %c0_i32, %c0_i32_1 : i32, i32, i32, i32
  }
  func.func @transform_5(%arg0: i32) -> (i32, i32) {
    %c0_i32 = arith.constant 0 : i32
    %c0_i32_0 = arith.constant 0 : i32
    %c0_i32_1 = arith.constant 0 : i32
    return %c0_i32, %c0_i32_0 : i32, i32
  }
  func.func @transform_6(%arg0: i32) -> (i32, i32) {
    %c0_i32 = arith.constant 0 : i32
    %c0_i32_0 = arith.constant 0 : i32
    %c0_i32_1 = arith.constant 0 : i32
    return %c0_i32, %c0_i32_0 : i32, i32
  }
  func.func @transform_7(%arg0: i32) -> (i32, i32) {
    %c0_i32 = arith.constant 0 : i32
    %c0_i32_0 = arith.constant 0 : i32
    %c0_i32_1 = arith.constant 0 : i32
    return %c0_i32, %c0_i32_0 : i32, i32
  }
  func.func @transform_8(%arg0: i32) -> (i32, i32) {
    %c0_i32 = arith.constant 0 : i32
    %c0_i32_0 = arith.constant 0 : i32
    %c0_i32_1 = arith.constant 0 : i32
    return %c0_i32, %c0_i32_0 : i32, i32
  }
  func.func @transform_9(%arg0: i32) -> (i32, i32) {
    %c0_i32 = arith.constant 0 : i32
    %c0_i32_0 = arith.constant 0 : i32
    %c0_i32_1 = arith.constant 0 : i32
    return %c0_i32, %c0_i32_0 : i32, i32
  }
  func.func @transform_10(%arg0: i32) -> (i32, i32) {
    %c0_i32 = arith.constant 0 : i32
    %c0_i32_0 = arith.constant 0 : i32
    %c0_i32_1 = arith.constant 0 : i32
    return %c0_i32, %c0_i32_0 : i32, i32
  }
  func.func @transform_11(%arg0: i32) -> (i32, i32) {
    %c0_i32 = arith.constant 0 : i32
    %c0_i32_0 = arith.constant 0 : i32
    %c0_i32_1 = arith.constant 0 : i32
    return %c0_i32, %c0_i32_0 : i32, i32
  }
  func.func @transform_12(%arg0: i32) -> (i32, i32) {
    %c0_i32 = arith.constant 0 : i32
    %c0_i32_0 = arith.constant 0 : i32
    %c0_i32_1 = arith.constant 0 : i32
    return %c0_i32, %c0_i32_0 : i32, i32
  }
  func.func @transform_13(%arg0: i32) -> (i32, i32) {
    %c0_i32 = arith.constant 0 : i32
    %c0_i32_0 = arith.constant 0 : i32
    %c0_i32_1 = arith.constant 0 : i32
    return %c0_i32, %c0_i32_0 : i32, i32
  }
  func.func @transform_14(%arg0: i32) -> (i32, i32) {
    %c0_i32 = arith.constant 0 : i32
    %c0_i32_0 = arith.constant 0 : i32
    %c0_i32_1 = arith.constant 0 : i32
    return %c0_i32, %c0_i32_0 : i32, i32
  }
  func.func @transform_15(%arg0: i32) -> (i32, i32) {
    %c0_i32 = arith.constant 0 : i32
    %c0_i32_0 = arith.constant 0 : i32
    %c0_i32_1 = arith.constant 0 : i32
    return %c0_i32, %c0_i32_0 : i32, i32
  }
  func.func @transform_16(%arg0: i32) -> (i32, i32) {
    %c0_i32 = arith.constant 0 : i32
    %c0_i32_0 = arith.constant 0 : i32
    %c0_i32_1 = arith.constant 0 : i32
    return %c0_i32, %c0_i32_0 : i32, i32
  }
  func.func @transform_17(%arg0: i32) -> (i32, i32) {
    %c0_i32 = arith.constant 0 : i32
    %c0_i32_0 = arith.constant 0 : i32
    %c0_i32_1 = arith.constant 0 : i32
    return %c0_i32, %c0_i32_0 : i32, i32
  }
  func.func @transform_18(%arg0: i32) -> (i32, i32) {
    %c0_i32 = arith.constant 0 : i32
    %c0_i32_0 = arith.constant 0 : i32
    %c0_i32_1 = arith.constant 0 : i32
    return %c0_i32, %c0_i32_0 : i32, i32
  }
  func.func @transform_19(%arg0: i32) -> (i32, i32) {
    %c0_i32 = arith.constant 0 : i32
    %c0_i32_0 = arith.constant 0 : i32
    return %arg0, %c0_i32 : i32, i32
  }
  func.func @transform_20(%arg0: i32) -> (i32, i32, i32) {
    %jit3A = arith.constant 5 : i32
    %div3A = arith.divsi %arg0, %jit3A : i32
    %sign3A = arith.constant 0 : i32
    %sign3A_0 = arith.cmpi sgt, %arg0, %sign3A : i32
    %sign3A_1 = arith.extui %sign3A_0 : i1 to i32
    %sign3A_2 = arith.constant 0 : i32
    %sign3A_3 = arith.cmpi slt, %arg0, %sign3A_2 : i32
    %sign3A_4 = arith.extui %sign3A_3 : i1 to i32
    %sign3A_5 = arith.subi %sign3A_1, %sign3A_4 : i32
    %sign3A_6 = arith.constant 0 : i32
    %sign3A_7 = arith.cmpi sgt, %jit3A, %sign3A_6 : i32
    %sign3A_8 = arith.extui %sign3A_7 : i1 to i32
    %sign3A_9 = arith.constant 0 : i32
    %sign3A_10 = arith.cmpi slt, %jit3A, %sign3A_9 : i32
    %sign3A_11 = arith.extui %sign3A_10 : i1 to i32
    %sign3A_12 = arith.subi %sign3A_8, %sign3A_11 : i32
    %ne3A = arith.cmpi ne, %sign3A_5, %sign3A_12 : i32
    %rem3A = arith.remsi %arg0, %jit3A : i32
    %ne3A_13 = arith.constant 0 : i32
    %ne3A_14 = arith.cmpi ne, %rem3A, %ne3A_13 : i32
    %and3A = arith.andi %ne3A, %ne3A_14 : i1
    %sub3A = arith.constant 1 : i32
    %sub3A_15 = arith.subi %div3A, %sub3A : i32
    %select_n3A = arith.select %and3A, %sub3A_15, %div3A : i32
    %c0_i32 = arith.constant 0 : i32
    %c0_i32_16 = arith.constant 0 : i32
    %c0_i32_17 = arith.constant 0 : i32
    return %select_n3A, %c0_i32, %c0_i32_16 : i32, i32, i32
  }
  func.func @transform_21(%arg0: i32) -> (i32, i32, i32) {
    %jit3A = arith.constant 5 : i32
    %div3A = arith.divsi %arg0, %jit3A : i32
    %sign3A = arith.constant 0 : i32
    %sign3A_0 = arith.cmpi sgt, %arg0, %sign3A : i32
    %sign3A_1 = arith.extui %sign3A_0 : i1 to i32
    %sign3A_2 = arith.constant 0 : i32
    %sign3A_3 = arith.cmpi slt, %arg0, %sign3A_2 : i32
    %sign3A_4 = arith.extui %sign3A_3 : i1 to i32
    %sign3A_5 = arith.subi %sign3A_1, %sign3A_4 : i32
    %sign3A_6 = arith.constant 0 : i32
    %sign3A_7 = arith.cmpi sgt, %jit3A, %sign3A_6 : i32
    %sign3A_8 = arith.extui %sign3A_7 : i1 to i32
    %sign3A_9 = arith.constant 0 : i32
    %sign3A_10 = arith.cmpi slt, %jit3A, %sign3A_9 : i32
    %sign3A_11 = arith.extui %sign3A_10 : i1 to i32
    %sign3A_12 = arith.subi %sign3A_8, %sign3A_11 : i32
    %ne3A = arith.cmpi ne, %sign3A_5, %sign3A_12 : i32
    %rem3A = arith.remsi %arg0, %jit3A : i32
    %ne3A_13 = arith.constant 0 : i32
    %ne3A_14 = arith.cmpi ne, %rem3A, %ne3A_13 : i32
    %and3A = arith.andi %ne3A, %ne3A_14 : i1
    %sub3A = arith.constant 1 : i32
    %sub3A_15 = arith.subi %div3A, %sub3A : i32
    %select_n3A = arith.select %and3A, %sub3A_15, %div3A : i32
    %c0_i32 = arith.constant 0 : i32
    %c0_i32_16 = arith.constant 0 : i32
    %c0_i32_17 = arith.constant 0 : i32
    return %select_n3A, %c0_i32, %c0_i32_16 : i32, i32, i32
  }
  func.func @transform_22(%arg0: i32) -> (i32, i32) {
    %c0_i32 = arith.constant 0 : i32
    %c0_i32_0 = arith.constant 0 : i32
    %c0_i32_1 = arith.constant 0 : i32
    return %c0_i32, %c0_i32_0 : i32, i32
  }
}

module attributes {stable_mosaic.version = 14 : i64} {
  func.func @_edge_kernel(%arg0: i32, %arg1: memref<2000x128xf32, #tpu.memory_space<vmem>>, %arg2: memref<2000x128xf32, #tpu.memory_space<vmem>>, %arg3: memref<2000x128xf32, #tpu.memory_space<vmem>>, %arg4: memref<1x1x1x2000xi32, #tpu.memory_space<vmem>>, %arg5: memref<1x1x1x2000xi32, #tpu.memory_space<vmem>>, %arg6: memref<16x128xf32, #tpu.memory_space<vmem>>, %arg7: memref<384x128xbf16, #tpu.memory_space<vmem>>, %arg8: memref<128x128xf32, #tpu.memory_space<vmem>>, %arg9: memref<1x128xf32, #tpu.memory_space<vmem>>, %arg10: memref<384x128xbf16, #tpu.memory_space<vmem>>, %arg11: memref<1x128xf32, #tpu.memory_space<vmem>>, %arg12: memref<128x128xbf16, #tpu.memory_space<vmem>>, %arg13: memref<256x128xbf16, #tpu.memory_space<vmem>>, %arg14: memref<1x128xf32, #tpu.memory_space<vmem>>, %arg15: memref<128x128xbf16, #tpu.memory_space<vmem>>, %arg16: memref<128x128xf32, #tpu.memory_space<vmem>>, %arg17: memref<1x128xf32, #tpu.memory_space<vmem>>, %arg18: memref<128x128xbf16, #tpu.memory_space<vmem>>, %arg19: memref<1x2000xbf16, #tpu.memory_space<vmem>>, %arg20: memref<2000x128xf32, #tpu.memory_space<vmem>>, %arg21: memref<1x640x144xf32, #tpu.memory_space<vmem>>, %arg22: memref<1x640x144xf32, #tpu.memory_space<vmem>>, %arg23: memref<16x144xf32, #tpu.memory_space<vmem>>, %arg24: memref<16x144xf32, #tpu.memory_space<vmem>>) attributes {dimension_semantics = [#tpu.dimension_semantics<arbitrary>], iteration_bounds = array<i64: 40>, scalar_prefetch = 0 : i64, scratch_operands = 1 : i64, tpu.core_type = #tpu.core_type<tc>, window_params = [{transform_indices = @transform_0, window_bounds = array<i64: 2000, 128>}, {transform_indices = @transform_1, window_bounds = array<i64: 2000, 128>}, {transform_indices = @transform_2, window_bounds = array<i64: 2000, 128>}, {transform_indices = @transform_3, window_bounds = array<i64: 1, 1, 1, 2000>}, {transform_indices = @transform_4, window_bounds = array<i64: 1, 1, 1, 2000>}, {pipeline_mode = #tpu.pipeline_mode<synchronous>, transform_indices = @transform_5, window_bounds = array<i64: 16, 128>}, {pipeline_mode = #tpu.pipeline_mode<synchronous>, transform_indices = @transform_6, window_bounds = array<i64: 384, 128>}, {pipeline_mode = #tpu.pipeline_mode<synchronous>, transform_indices = @transform_7, window_bounds = array<i64: 128, 128>}, {pipeline_mode = #tpu.pipeline_mode<synchronous>, transform_indices = @transform_8, window_bounds = array<i64: 1, 128>}, {pipeline_mode = #tpu.pipeline_mode<synchronous>, transform_indices = @transform_9, window_bounds = array<i64: 384, 128>}, {pipeline_mode = #tpu.pipeline_mode<synchronous>, transform_indices = @transform_10, window_bounds = array<i64: 1, 128>}, {pipeline_mode = #tpu.pipeline_mode<synchronous>, transform_indices = @transform_11, window_bounds = array<i64: 128, 128>}, {pipeline_mode = #tpu.pipeline_mode<synchronous>, transform_indices = @transform_12, window_bounds = array<i64: 256, 128>}, {pipeline_mode = #tpu.pipeline_mode<synchronous>, transform_indices = @transform_13, window_bounds = array<i64: 1, 128>}, {pipeline_mode = #tpu.pipeline_mode<synchronous>, transform_indices = @transform_14, window_bounds = array<i64: 128, 128>}, {pipeline_mode = #tpu.pipeline_mode<synchronous>, transform_indices = @transform_15, window_bounds = array<i64: 128, 128>}, {pipeline_mode = #tpu.pipeline_mode<synchronous>, transform_indices = @transform_16, window_bounds = array<i64: 1, 128>}, {pipeline_mode = #tpu.pipeline_mode<synchronous>, transform_indices = @transform_17, window_bounds = array<i64: 128, 128>}, {pipeline_mode = #tpu.pipeline_mode<synchronous>, transform_indices = @transform_18, window_bounds = array<i64: 1, 2000>}, {transform_indices = @transform_19, window_bounds = array<i64: 2000, 128>}, {transform_indices = @transform_20, window_bounds = array<i64: 1, 640, 144>}, {transform_indices = @transform_21, window_bounds = array<i64: 1, 640, 144>}, {pipeline_mode = #tpu.pipeline_mode<synchronous>, transform_indices = @transform_22, window_bounds = array<i64: 16, 144>}]} {
    %jit3A = arith.constant 5 : i32
    %div3A = arith.divsi %arg0, %jit3A : i32
    %sign3A = arith.constant 0 : i32
    %sign3A_0 = arith.cmpi sgt, %arg0, %sign3A : i32
    %sign3A_1 = arith.extui %sign3A_0 : i1 to i32
    %sign3A_2 = arith.constant 0 : i32
    %sign3A_3 = arith.cmpi slt, %arg0, %sign3A_2 : i32
    %sign3A_4 = arith.extui %sign3A_3 : i1 to i32
    %sign3A_5 = arith.subi %sign3A_1, %sign3A_4 : i32
    %sign3A_6 = arith.constant 0 : i32
    %sign3A_7 = arith.cmpi sgt, %jit3A, %sign3A_6 : i32
    %sign3A_8 = arith.extui %sign3A_7 : i1 to i32
    %sign3A_9 = arith.constant 0 : i32
    %sign3A_10 = arith.cmpi slt, %jit3A, %sign3A_9 : i32
    %sign3A_11 = arith.extui %sign3A_10 : i1 to i32
    %sign3A_12 = arith.subi %sign3A_8, %sign3A_11 : i32
    %ne3A = arith.cmpi ne, %sign3A_5, %sign3A_12 : i32
    %rem3A = arith.remsi %arg0, %jit3A : i32
    %ne3A_13 = arith.constant 0 : i32
    %ne3A_14 = arith.cmpi ne, %rem3A, %ne3A_13 : i32
    %and3A = arith.andi %ne3A, %ne3A_14 : i1
    %sub3A = arith.constant 1 : i32
    %sub3A_15 = arith.subi %div3A, %sub3A : i32
    %select_n3A = arith.select %and3A, %sub3A_15, %div3A : i32
    %add3A = arith.constant 8 : i32
    %add3A_16 = arith.addi %add3A, %select_n3A : i32
    %eq3A = arith.constant 0 : i32
    %eq3A_17 = arith.cmpi eq, %arg0, %eq3A : i32
    %convert_element_type3A = arith.extui %eq3A_17 : i1 to i32
    %cond3A = arith.constant 0 : i32
    %cond3A_18 = arith.cmpi ne, %convert_element_type3A, %cond3A : i32
    scf.if %cond3A_18 {
      %broadcast_in_dim3A_264 = arith.constant 0.000000e+00 : f32
      %broadcast_in_dim3A_265 = vector.broadcast %broadcast_in_dim3A_264 : f32 to vector<16x144xf32>
      %swap3A_266 = arith.constant 0 : index
      %swap3A_267 = arith.constant 0 : index
      %swap3A_268 = vector.load %arg24[%swap3A_266, %swap3A_267] : memref<16x144xf32, #tpu.memory_space<vmem>>, vector<16x144xf32>
      tpu.vector_store %arg24[%swap3A_266, %swap3A_267], %broadcast_in_dim3A_265 {strides = array<i32>} : memref<16x144xf32, #tpu.memory_space<vmem>>, vector<16x144xf32>,
    } else {
    }
    %jit3A_19 = arith.constant 5 : i32
    %eq3A_20 = arith.constant 0 : i32
    %eq3A_21 = arith.cmpi eq, %jit3A_19, %eq3A_20 : i32
    %jit3A_22 = arith.constant 1 : i32
    %select_n3A_23 = arith.select %eq3A_21, %jit3A_22, %jit3A_19 : i32
    %rem3A_24 = arith.remsi %arg0, %select_n3A_23 : i32
    %ne3A_25 = arith.constant 0 : i32
    %ne3A_26 = arith.cmpi ne, %rem3A_24, %ne3A_25 : i32
    %lt3A = arith.constant 0 : i32
    %lt3A_27 = arith.cmpi slt, %rem3A_24, %lt3A : i32
    %lt3A_28 = arith.constant 0 : i32
    %lt3A_29 = arith.cmpi slt, %select_n3A_23, %lt3A_28 : i32
    %ne3A_30 = arith.xori %lt3A_27, %lt3A_29 : i1
    %and3A_31 = arith.andi %ne3A_30, %ne3A_26 : i1
    %add3A_32 = arith.addi %rem3A_24, %select_n3A_23 : i32
    %select_n3A_33 = arith.select %and3A_31, %add3A_32, %rem3A_24 : i32
    %eq3A_34 = arith.constant 0 : i32
    %eq3A_35 = arith.cmpi eq, %select_n3A_33, %eq3A_34 : i32
    %convert_element_type3A_36 = arith.extui %eq3A_35 : i1 to i32
    %cond3A_37 = arith.constant 0 : i32
    %cond3A_38 = arith.cmpi ne, %convert_element_type3A_36, %cond3A_37 : i32
    scf.if %cond3A_38 {
      %broadcast_in_dim3A_264 = arith.constant 0.000000e+00 : f32
      %broadcast_in_dim3A_265 = vector.broadcast %broadcast_in_dim3A_264 : f32 to vector<1x640x144xf32>
      %swap3A_266 = arith.constant 0 : index
      %swap3A_267 = arith.constant 0 : index
      %swap3A_268 = arith.constant 0 : index
      %swap3A_269 = vector.load %arg21[%swap3A_266, %swap3A_267, %swap3A_268] : memref<1x640x144xf32, #tpu.memory_space<vmem>>, vector<1x640x144xf32>
      tpu.vector_store %arg21[%swap3A_266, %swap3A_267, %swap3A_268], %broadcast_in_dim3A_265 {strides = array<i32>} : memref<1x640x144xf32, #tpu.memory_space<vmem>>, vector<1x640x144xf32>,
      %broadcast_in_dim3A_270 = arith.constant 0.000000e+00 : f32
      %broadcast_in_dim3A_271 = vector.broadcast %broadcast_in_dim3A_270 : f32 to vector<1x640x144xf32>
      %swap3A_272 = arith.constant 0 : index
      %swap3A_273 = arith.constant 0 : index
      %swap3A_274 = arith.constant 0 : index
      %swap3A_275 = vector.load %arg22[%swap3A_272, %swap3A_273, %swap3A_274] : memref<1x640x144xf32, #tpu.memory_space<vmem>>, vector<1x640x144xf32>
      tpu.vector_store %arg22[%swap3A_272, %swap3A_273, %swap3A_274], %broadcast_in_dim3A_271 {strides = array<i32>} : memref<1x640x144xf32, #tpu.memory_space<vmem>>, vector<1x640x144xf32>,
    } else {
    }
    %get3A = arith.constant 0 : index
    %get3A_39 = arith.constant 0 : index
    %get3A_40 = vector.load %arg1[%get3A, %get3A_39] : memref<2000x128xf32, #tpu.memory_space<vmem>>, vector<2000x128xf32>
    %convert_element_type3A_41 = arith.truncf %get3A_40 : vector<2000x128xf32> to vector<2000x128xbf16>
    %get3A_42 = arith.constant 0 : index
    %get3A_43 = arith.constant 0 : index
    %get3A_44 = vector.load %arg2[%get3A_42, %get3A_43] : memref<2000x128xf32, #tpu.memory_space<vmem>>, vector<2000x128xf32>
    %convert_element_type3A_45 = arith.truncf %get3A_44 : vector<2000x128xf32> to vector<2000x128xbf16>
    %get3A_46 = arith.constant 0 : index
    %get3A_47 = arith.constant 0 : index
    %get3A_48 = vector.load %arg3[%get3A_46, %get3A_47] : memref<2000x128xf32, #tpu.memory_space<vmem>>, vector<2000x128xf32>
    %convert_element_type3A_49 = arith.truncf %get3A_48 : vector<2000x128xf32> to vector<2000x128xbf16>
    %get3A_50 = arith.index_cast %add3A_16 : i32 to index
    %get3A_51 = arith.constant 0 : index
    %get3A_52 = vector.load %arg6[%get3A_50, %get3A_51] : memref<16x128xf32, #tpu.memory_space<vmem>>, vector<1x128xf32>
    %get3A_53 = arith.constant 0 : index
    %get3A_54 = arith.constant 0 : index
    %get3A_55 = vector.load %arg8[%get3A_53, %get3A_54] : memref<128x128xf32, #tpu.memory_space<vmem>>, vector<128x128xf32>
    %dot_general3A = arith.constant dense<0.000000e+00> : vector<1x128xf32>
    %dot_general3A_56 = tpu.matmul %get3A_52, %get3A_55, %dot_general3A {dimension_numbers = #tpu.dot_dimension_numbers<[1], [0], [0], [1], [0, 0, 1, 1], [], []>, transpose_lhs_hint = false} : vector<1x128xf32>, vector<128x128xf32>, vector<1x128xf32> -> vector<1x128xf32>
    %get3A_57 = arith.constant 0 : index
    %get3A_58 = arith.constant 0 : index
    %get3A_59 = vector.load %arg9[%get3A_57, %get3A_58] : memref<1x128xf32, #tpu.memory_space<vmem>>, vector<1x128xf32>
    %add3A_60 = arith.addf %dot_general3A_56, %get3A_59 : vector<1x128xf32>
    %concatenate3A = tpu.concatenate %convert_element_type3A_41, %convert_element_type3A_45, %convert_element_type3A_49 in 1 : vector<2000x128xbf16>, vector<2000x128xbf16>, vector<2000x128xbf16> -> vector<2000x384xbf16>
    %get3A_61 = arith.constant 0 : index
    %get3A_62 = arith.constant 0 : index
    %get3A_63 = vector.load %arg7[%get3A_61, %get3A_62] : memref<384x128xbf16, #tpu.memory_space<vmem>>, vector<384x128xbf16>
    %dot_general3A_64 = arith.constant dense<0.000000e+00> : vector<2000x128xf32>
    %dot_general3A_65 = tpu.matmul %concatenate3A, %get3A_63, %dot_general3A_64 {dimension_numbers = #tpu.dot_dimension_numbers<[1], [0], [0], [1], [0, 0, 1, 1], [], []>, transpose_lhs_hint = false} : vector<2000x384xbf16>, vector<384x128xbf16>, vector<2000x128xf32> -> vector<2000x128xf32>
    %add3A_66 = vector.broadcast %add3A_60 : vector<1x128xf32> to vector<2000x128xf32>
    %add3A_67 = arith.addf %dot_general3A_65, %add3A_66 : vector<2000x128xf32>
    %swap3A = arith.constant 0 : index
    %swap3A_68 = arith.constant 0 : index
    %swap3A_69 = vector.load %arg20[%swap3A, %swap3A_68] : memref<2000x128xf32, #tpu.memory_space<vmem>>, vector<2000x128xf32>
    tpu.vector_store %arg20[%swap3A, %swap3A_68], %add3A_67 {strides = array<i32>} : memref<2000x128xf32, #tpu.memory_space<vmem>>, vector<2000x128xf32>,
    %convert_element_type3A_70 = arith.truncf %add3A_67 : vector<2000x128xf32> to vector<2000x128xbf16>
    %concatenate3A_71 = tpu.concatenate %convert_element_type3A_45, %convert_element_type3A_49, %convert_element_type3A_70 in 1 : vector<2000x128xbf16>, vector<2000x128xbf16>, vector<2000x128xbf16> -> vector<2000x384xbf16>
    %get3A_72 = arith.constant 0 : index
    %get3A_73 = arith.constant 0 : index
    %get3A_74 = vector.load %arg10[%get3A_72, %get3A_73] : memref<384x128xbf16, #tpu.memory_space<vmem>>, vector<384x128xbf16>
    %dot_general3A_75 = arith.constant dense<0.000000e+00> : vector<2000x128xf32>
    %dot_general3A_76 = tpu.matmul %concatenate3A_71, %get3A_74, %dot_general3A_75 {dimension_numbers = #tpu.dot_dimension_numbers<[1], [0], [0], [1], [0, 0, 1, 1], [], []>, transpose_lhs_hint = false} : vector<2000x384xbf16>, vector<384x128xbf16>, vector<2000x128xf32> -> vector<2000x128xf32>
    %get3A_77 = arith.constant 0 : index
    %get3A_78 = arith.constant 0 : index
    %get3A_79 = vector.load %arg11[%get3A_77, %get3A_78] : memref<1x128xf32, #tpu.memory_space<vmem>>, vector<1x128xf32>
    %add3A_80 = vector.broadcast %get3A_79 : vector<1x128xf32> to vector<2000x128xf32>
    %add3A_81 = arith.addf %dot_general3A_76, %add3A_80 : vector<2000x128xf32>
    %ge3A = arith.constant 0.000000e+00 : f32
    %ge3A_82 = vector.broadcast %ge3A : f32 to vector<2000x128xf32>
    %ge3A_83 = arith.cmpf oge, %add3A_81, %ge3A_82 : vector<2000x128xf32>
    %mul3A = arith.constant 0.00999999977 : f32
    %mul3A_84 = vector.broadcast %mul3A : f32 to vector<2000x128xf32>
    %mul3A_85 = arith.mulf %mul3A_84, %add3A_81 : vector<2000x128xf32>
    %select_n3A_86 = arith.select %ge3A_83, %add3A_81, %mul3A_85 : vector<2000x128xi1>, vector<2000x128xf32>
    %concatenate3A_87 = tpu.concatenate %convert_element_type3A_49, %convert_element_type3A_45, %convert_element_type3A_70 in 1 : vector<2000x128xbf16>, vector<2000x128xbf16>, vector<2000x128xbf16> -> vector<2000x384xbf16>
    %get3A_88 = arith.constant 0 : index
    %get3A_89 = arith.constant 0 : index
    %get3A_90 = vector.load %arg10[%get3A_88, %get3A_89] : memref<384x128xbf16, #tpu.memory_space<vmem>>, vector<384x128xbf16>
    %dot_general3A_91 = arith.constant dense<0.000000e+00> : vector<2000x128xf32>
    %dot_general3A_92 = tpu.matmul %concatenate3A_87, %get3A_90, %dot_general3A_91 {dimension_numbers = #tpu.dot_dimension_numbers<[1], [0], [0], [1], [0, 0, 1, 1], [], []>, transpose_lhs_hint = false} : vector<2000x384xbf16>, vector<384x128xbf16>, vector<2000x128xf32> -> vector<2000x128xf32>
    %get3A_93 = arith.constant 0 : index
    %get3A_94 = arith.constant 0 : index
    %get3A_95 = vector.load %arg11[%get3A_93, %get3A_94] : memref<1x128xf32, #tpu.memory_space<vmem>>, vector<1x128xf32>
    %add3A_96 = vector.broadcast %get3A_95 : vector<1x128xf32> to vector<2000x128xf32>
    %add3A_97 = arith.addf %dot_general3A_92, %add3A_96 : vector<2000x128xf32>
    %ge3A_98 = arith.constant 0.000000e+00 : f32
    %ge3A_99 = vector.broadcast %ge3A_98 : f32 to vector<2000x128xf32>
    %ge3A_100 = arith.cmpf oge, %add3A_97, %ge3A_99 : vector<2000x128xf32>
    %mul3A_101 = arith.constant 0.00999999977 : f32
    %mul3A_102 = vector.broadcast %mul3A_101 : f32 to vector<2000x128xf32>
    %mul3A_103 = arith.mulf %mul3A_102, %add3A_97 : vector<2000x128xf32>
    %select_n3A_104 = arith.select %ge3A_100, %add3A_97, %mul3A_103 : vector<2000x128xi1>, vector<2000x128xf32>
    %convert_element_type3A_105 = arith.truncf %select_n3A_86 : vector<2000x128xf32> to vector<2000x128xbf16>
    %get3A_106 = arith.constant 0 : index
    %get3A_107 = arith.constant 0 : index
    %get3A_108 = vector.load %arg12[%get3A_106, %get3A_107] : memref<128x128xbf16, #tpu.memory_space<vmem>>, vector<128x128xbf16>
    %dot_general3A_109 = arith.constant dense<0.000000e+00> : vector<2000x128xf32>
    %dot_general3A_110 = tpu.matmul %convert_element_type3A_105, %get3A_108, %dot_general3A_109 {dimension_numbers = #tpu.dot_dimension_numbers<[1], [0], [0], [1], [0, 0, 1, 1], [], []>, transpose_lhs_hint = false} : vector<2000x128xbf16>, vector<128x128xbf16>, vector<2000x128xf32> -> vector<2000x128xf32>
    %exp3A = math.exp %dot_general3A_110 : vector<2000x128xf32>
    %convert_element_type3A_111 = arith.truncf %select_n3A_104 : vector<2000x128xf32> to vector<2000x128xbf16>
    %get3A_112 = arith.constant 0 : index
    %get3A_113 = arith.constant 0 : index
    %get3A_114 = vector.load %arg12[%get3A_112, %get3A_113] : memref<128x128xbf16, #tpu.memory_space<vmem>>, vector<128x128xbf16>
    %dot_general3A_115 = arith.constant dense<0.000000e+00> : vector<2000x128xf32>
    %dot_general3A_116 = tpu.matmul %convert_element_type3A_111, %get3A_114, %dot_general3A_115 {dimension_numbers = #tpu.dot_dimension_numbers<[1], [0], [0], [1], [0, 0, 1, 1], [], []>, transpose_lhs_hint = false} : vector<2000x128xbf16>, vector<128x128xbf16>, vector<2000x128xf32> -> vector<2000x128xf32>
    %exp3A_117 = math.exp %dot_general3A_116 : vector<2000x128xf32>
    %concatenate3A_118 = tpu.concatenate %convert_element_type3A_49, %convert_element_type3A_70 in 1 : vector<2000x128xbf16>, vector<2000x128xbf16> -> vector<2000x256xbf16>
    %get3A_119 = arith.constant 0 : index
    %get3A_120 = arith.constant 0 : index
    %get3A_121 = vector.load %arg13[%get3A_119, %get3A_120] : memref<256x128xbf16, #tpu.memory_space<vmem>>, vector<256x128xbf16>
    %dot_general3A_122 = arith.constant dense<0.000000e+00> : vector<2000x128xf32>
    %dot_general3A_123 = tpu.matmul %concatenate3A_118, %get3A_121, %dot_general3A_122 {dimension_numbers = #tpu.dot_dimension_numbers<[1], [0], [0], [1], [0, 0, 1, 1], [], []>, transpose_lhs_hint = false} : vector<2000x256xbf16>, vector<256x128xbf16>, vector<2000x128xf32> -> vector<2000x128xf32>
    %get3A_124 = arith.constant 0 : index
    %get3A_125 = arith.constant 0 : index
    %get3A_126 = vector.load %arg14[%get3A_124, %get3A_125] : memref<1x128xf32, #tpu.memory_space<vmem>>, vector<1x128xf32>
    %add3A_127 = vector.broadcast %get3A_126 : vector<1x128xf32> to vector<2000x128xf32>
    %add3A_128 = arith.addf %dot_general3A_123, %add3A_127 : vector<2000x128xf32>
    %concatenate3A_129 = tpu.concatenate %convert_element_type3A_45, %convert_element_type3A_70 in 1 : vector<2000x128xbf16>, vector<2000x128xbf16> -> vector<2000x256xbf16>
    %get3A_130 = arith.constant 0 : index
    %get3A_131 = arith.constant 0 : index
    %get3A_132 = vector.load %arg13[%get3A_130, %get3A_131] : memref<256x128xbf16, #tpu.memory_space<vmem>>, vector<256x128xbf16>
    %dot_general3A_133 = arith.constant dense<0.000000e+00> : vector<2000x128xf32>
    %dot_general3A_134 = tpu.matmul %concatenate3A_129, %get3A_132, %dot_general3A_133 {dimension_numbers = #tpu.dot_dimension_numbers<[1], [0], [0], [1], [0, 0, 1, 1], [], []>, transpose_lhs_hint = false} : vector<2000x256xbf16>, vector<256x128xbf16>, vector<2000x128xf32> -> vector<2000x128xf32>
    %get3A_135 = arith.constant 0 : index
    %get3A_136 = arith.constant 0 : index
    %get3A_137 = vector.load %arg14[%get3A_135, %get3A_136] : memref<1x128xf32, #tpu.memory_space<vmem>>, vector<1x128xf32>
    %add3A_138 = vector.broadcast %get3A_137 : vector<1x128xf32> to vector<2000x128xf32>
    %add3A_139 = arith.addf %dot_general3A_134, %add3A_138 : vector<2000x128xf32>
    %mul3A_140 = arith.mulf %add3A_128, %exp3A : vector<2000x128xf32>
    %slice3A = vector.extract_strided_slice %exp3A {offsets = [0, 0], sizes = [2000, 8], strides = [1, 1]} : vector<2000x128xf32> to vector<2000x8xf32>
    %slice3A_141 = vector.extract_strided_slice %exp3A {offsets = [0, 64], sizes = [2000, 8], strides = [1, 1]} : vector<2000x128xf32> to vector<2000x8xf32>
    %concatenate3A_142 = tpu.concatenate %mul3A_140, %slice3A, %slice3A_141 in 1 : vector<2000x128xf32>, vector<2000x8xf32>, vector<2000x8xf32> -> vector<2000x144xf32>
    %convert_element_type3A_143 = arith.truncf %concatenate3A_142 : vector<2000x144xf32> to vector<2000x144xbf16>
    %mul3A_144 = arith.mulf %add3A_139, %exp3A_117 : vector<2000x128xf32>
    %slice3A_145 = vector.extract_strided_slice %exp3A_117 {offsets = [0, 0], sizes = [2000, 8], strides = [1, 1]} : vector<2000x128xf32> to vector<2000x8xf32>
    %slice3A_146 = vector.extract_strided_slice %exp3A_117 {offsets = [0, 64], sizes = [2000, 8], strides = [1, 1]} : vector<2000x128xf32> to vector<2000x8xf32>
    %concatenate3A_147 = tpu.concatenate %mul3A_144, %slice3A_145, %slice3A_146 in 1 : vector<2000x128xf32>, vector<2000x8xf32>, vector<2000x8xf32> -> vector<2000x144xf32>
    %convert_element_type3A_148 = arith.truncf %concatenate3A_147 : vector<2000x144xf32> to vector<2000x144xbf16>
    %iota3A = tpu.iota {dimensions = array<i32: 0>} : vector<640x1xi32>
    %get3A_149 = arith.constant 0 : index
    %get3A_150 = arith.constant 0 : index
    %get3A_151 = arith.constant 0 : index
    %get3A_152 = arith.constant 0 : index
    %get3A_153 = vector.load %arg4[%get3A_149, %get3A_150, %get3A_151, %get3A_152] : memref<1x1x1x2000xi32, #tpu.memory_space<vmem>>, vector<1x1x1x2000xi32>
    %get3A_154 = vector.shape_cast %get3A_153 : vector<1x1x1x2000xi32> to vector<2000xi32>
    %reshape3A = vector.shape_cast %get3A_154 : vector<2000xi32> to vector<1x2000xi32>
    %mul3A_155 = arith.constant 625 : i32
    %mul3A_156 = arith.muli %add3A_16, %mul3A_155 : i32
    %sub3A_157 = vector.broadcast %mul3A_156 : i32 to vector<1x2000xi32>
    %sub3A_158 = arith.subi %reshape3A, %sub3A_157 : vector<1x2000xi32>
    %get3A_159 = arith.constant 0 : index
    %get3A_160 = arith.constant 0 : index
    %get3A_161 = arith.constant 0 : index
    %get3A_162 = arith.constant 0 : index
    %get3A_163 = vector.load %arg5[%get3A_159, %get3A_160, %get3A_161, %get3A_162] : memref<1x1x1x2000xi32, #tpu.memory_space<vmem>>, vector<1x1x1x2000xi32>
    %get3A_164 = vector.shape_cast %get3A_163 : vector<1x1x1x2000xi32> to vector<2000xi32>
    %reshape3A_165 = vector.shape_cast %get3A_164 : vector<2000xi32> to vector<1x2000xi32>
    %mul3A_166 = arith.constant 625 : i32
    %mul3A_167 = arith.muli %add3A_16, %mul3A_166 : i32
    %sub3A_168 = vector.broadcast %mul3A_167 : i32 to vector<1x2000xi32>
    %sub3A_169 = arith.subi %reshape3A_165, %sub3A_168 : vector<1x2000xi32>
    %eq3A_170 = vector.broadcast %iota3A : vector<640x1xi32> to vector<640x2000xi32>
    %eq3A_171 = vector.broadcast %sub3A_158 : vector<1x2000xi32> to vector<640x2000xi32>
    %eq3A_172 = arith.cmpi eq, %eq3A_170, %eq3A_171 : vector<640x2000xi32>
    %convert_element_type3A_173 = arith.extui %eq3A_172 : vector<640x2000xi1> to vector<640x2000xi32>
    %convert_element_type3A_174 = arith.sitofp %convert_element_type3A_173 : vector<640x2000xi32> to vector<640x2000xf32>
    %convert_element_type3A_175 = arith.truncf %convert_element_type3A_174 : vector<640x2000xf32> to vector<640x2000xbf16>
    %eq3A_176 = vector.broadcast %iota3A : vector<640x1xi32> to vector<640x2000xi32>
    %eq3A_177 = vector.broadcast %sub3A_169 : vector<1x2000xi32> to vector<640x2000xi32>
    %eq3A_178 = arith.cmpi eq, %eq3A_176, %eq3A_177 : vector<640x2000xi32>
    %convert_element_type3A_179 = arith.extui %eq3A_178 : vector<640x2000xi1> to vector<640x2000xi32>
    %convert_element_type3A_180 = arith.sitofp %convert_element_type3A_179 : vector<640x2000xi32> to vector<640x2000xf32>
    %convert_element_type3A_181 = arith.truncf %convert_element_type3A_180 : vector<640x2000xf32> to vector<640x2000xbf16>
    %get3A_182 = arith.constant 0 : index
    %get3A_183 = arith.constant 0 : index
    %get3A_184 = arith.constant 0 : index
    %get3A_185 = vector.load %arg21[%get3A_182, %get3A_183, %get3A_184] : memref<1x640x144xf32, #tpu.memory_space<vmem>>, vector<1x640x144xf32>
    %dot_general3A_186 = arith.constant dense<0.000000e+00> : vector<640x144xf32>
    %dot_general3A_187 = tpu.matmul %convert_element_type3A_175, %convert_element_type3A_143, %dot_general3A_186 {dimension_numbers = #tpu.dot_dimension_numbers<[1], [0], [0], [1], [0, 0, 1, 1], [], []>, transpose_lhs_hint = false} : vector<640x2000xbf16>, vector<2000x144xbf16>, vector<640x144xf32> -> vector<640x144xf32>
    %broadcast_in_dim3A = vector.shape_cast %dot_general3A_187 : vector<640x144xf32> to vector<1x640x144xf32>
    %add3A_188 = arith.addf %get3A_185, %broadcast_in_dim3A : vector<1x640x144xf32>
    %swap3A_189 = arith.constant 0 : index
    %swap3A_190 = arith.constant 0 : index
    %swap3A_191 = arith.constant 0 : index
    %swap3A_192 = vector.load %arg21[%swap3A_189, %swap3A_190, %swap3A_191] : memref<1x640x144xf32, #tpu.memory_space<vmem>>, vector<1x640x144xf32>
    tpu.vector_store %arg21[%swap3A_189, %swap3A_190, %swap3A_191], %add3A_188 {strides = array<i32>} : memref<1x640x144xf32, #tpu.memory_space<vmem>>, vector<1x640x144xf32>,
    %get3A_193 = arith.constant 0 : index
    %get3A_194 = arith.constant 0 : index
    %get3A_195 = arith.constant 0 : index
    %get3A_196 = vector.load %arg22[%get3A_193, %get3A_194, %get3A_195] : memref<1x640x144xf32, #tpu.memory_space<vmem>>, vector<1x640x144xf32>
    %dot_general3A_197 = arith.constant dense<0.000000e+00> : vector<640x144xf32>
    %dot_general3A_198 = tpu.matmul %convert_element_type3A_181, %convert_element_type3A_148, %dot_general3A_197 {dimension_numbers = #tpu.dot_dimension_numbers<[1], [0], [0], [1], [0, 0, 1, 1], [], []>, transpose_lhs_hint = false} : vector<640x2000xbf16>, vector<2000x144xbf16>, vector<640x144xf32> -> vector<640x144xf32>
    %broadcast_in_dim3A_199 = vector.shape_cast %dot_general3A_198 : vector<640x144xf32> to vector<1x640x144xf32>
    %add3A_200 = arith.addf %get3A_196, %broadcast_in_dim3A_199 : vector<1x640x144xf32>
    %swap3A_201 = arith.constant 0 : index
    %swap3A_202 = arith.constant 0 : index
    %swap3A_203 = arith.constant 0 : index
    %swap3A_204 = vector.load %arg22[%swap3A_201, %swap3A_202, %swap3A_203] : memref<1x640x144xf32, #tpu.memory_space<vmem>>, vector<1x640x144xf32>
    tpu.vector_store %arg22[%swap3A_201, %swap3A_202, %swap3A_203], %add3A_200 {strides = array<i32>} : memref<1x640x144xf32, #tpu.memory_space<vmem>>, vector<1x640x144xf32>,
    %get3A_205 = arith.constant 0 : index
    %get3A_206 = arith.constant 0 : index
    %get3A_207 = vector.load %arg16[%get3A_205, %get3A_206] : memref<128x128xf32, #tpu.memory_space<vmem>>, vector<128x128xf32>
    %dot_general3A_208 = arith.constant dense<0.000000e+00> : vector<1x128xf32>
    %dot_general3A_209 = tpu.matmul %get3A_52, %get3A_207, %dot_general3A_208 {dimension_numbers = #tpu.dot_dimension_numbers<[1], [0], [0], [1], [0, 0, 1, 1], [], []>, transpose_lhs_hint = false} : vector<1x128xf32>, vector<128x128xf32>, vector<1x128xf32> -> vector<1x128xf32>
    %get3A_210 = arith.constant 0 : index
    %get3A_211 = arith.constant 0 : index
    %get3A_212 = vector.load %arg17[%get3A_210, %get3A_211] : memref<1x128xf32, #tpu.memory_space<vmem>>, vector<1x128xf32>
    %add3A_213 = arith.addf %dot_general3A_209, %get3A_212 : vector<1x128xf32>
    %get3A_214 = arith.constant 0 : index
    %get3A_215 = arith.constant 0 : index
    %get3A_216 = vector.load %arg15[%get3A_214, %get3A_215] : memref<128x128xbf16, #tpu.memory_space<vmem>>, vector<128x128xbf16>
    %dot_general3A_217 = arith.constant dense<0.000000e+00> : vector<2000x128xf32>
    %dot_general3A_218 = tpu.matmul %convert_element_type3A_70, %get3A_216, %dot_general3A_217 {dimension_numbers = #tpu.dot_dimension_numbers<[1], [0], [0], [1], [0, 0, 1, 1], [], []>, transpose_lhs_hint = false} : vector<2000x128xbf16>, vector<128x128xbf16>, vector<2000x128xf32> -> vector<2000x128xf32>
    %add3A_219 = vector.broadcast %add3A_213 : vector<1x128xf32> to vector<2000x128xf32>
    %add3A_220 = arith.addf %dot_general3A_218, %add3A_219 : vector<2000x128xf32>
    %ge3A_221 = arith.constant 0.000000e+00 : f32
    %ge3A_222 = vector.broadcast %ge3A_221 : f32 to vector<2000x128xf32>
    %ge3A_223 = arith.cmpf oge, %add3A_220, %ge3A_222 : vector<2000x128xf32>
    %mul3A_224 = arith.constant 0.00999999977 : f32
    %mul3A_225 = vector.broadcast %mul3A_224 : f32 to vector<2000x128xf32>
    %mul3A_226 = arith.mulf %mul3A_225, %add3A_220 : vector<2000x128xf32>
    %select_n3A_227 = arith.select %ge3A_223, %add3A_220, %mul3A_226 : vector<2000x128xi1>, vector<2000x128xf32>
    %convert_element_type3A_228 = arith.truncf %select_n3A_227 : vector<2000x128xf32> to vector<2000x128xbf16>
    %get3A_229 = arith.constant 0 : index
    %get3A_230 = arith.constant 0 : index
    %get3A_231 = vector.load %arg18[%get3A_229, %get3A_230] : memref<128x128xbf16, #tpu.memory_space<vmem>>, vector<128x128xbf16>
    %dot_general3A_232 = arith.constant dense<0.000000e+00> : vector<2000x128xf32>
    %dot_general3A_233 = tpu.matmul %convert_element_type3A_228, %get3A_231, %dot_general3A_232 {dimension_numbers = #tpu.dot_dimension_numbers<[1], [0], [0], [1], [0, 0, 1, 1], [], []>, transpose_lhs_hint = false} : vector<2000x128xbf16>, vector<128x128xbf16>, vector<2000x128xf32> -> vector<2000x128xf32>
    %exp3A_234 = math.exp %dot_general3A_233 : vector<2000x128xf32>
    %mul3A_235 = arith.mulf %exp3A_234, %add3A_67 : vector<2000x128xf32>
    %slice3A_236 = vector.extract_strided_slice %exp3A_234 {offsets = [0, 0], sizes = [2000, 8], strides = [1, 1]} : vector<2000x128xf32> to vector<2000x8xf32>
    %slice3A_237 = vector.extract_strided_slice %exp3A_234 {offsets = [0, 64], sizes = [2000, 8], strides = [1, 1]} : vector<2000x128xf32> to vector<2000x8xf32>
    %concatenate3A_238 = tpu.concatenate %mul3A_235, %slice3A_236, %slice3A_237 in 1 : vector<2000x128xf32>, vector<2000x8xf32>, vector<2000x8xf32> -> vector<2000x144xf32>
    %get3A_239 = arith.constant 0 : index
    %get3A_240 = arith.constant 0 : index
    %get3A_241 = vector.load %arg19[%get3A_239, %get3A_240] : memref<1x2000xbf16, #tpu.memory_space<vmem>>, vector<1x2000xbf16>
    %convert_element_type3A_242 = arith.truncf %concatenate3A_238 : vector<2000x144xf32> to vector<2000x144xbf16>
    %dot_general3A_243 = arith.constant dense<0.000000e+00> : vector<1x144xf32>
    %dot_general3A_244 = tpu.matmul %get3A_241, %convert_element_type3A_242, %dot_general3A_243 {dimension_numbers = #tpu.dot_dimension_numbers<[1], [0], [0], [1], [0, 0, 1, 1], [], []>, transpose_lhs_hint = false} : vector<1x2000xbf16>, vector<2000x144xbf16>, vector<1x144xf32> -> vector<1x144xf32>
    %iota3A_245 = tpu.iota {dimensions = array<i32: 1>} : vector<1x16xi32>
    %eq3A_246 = vector.broadcast %add3A_16 : i32 to vector<1x16xi32>
    %eq3A_247 = arith.cmpi eq, %iota3A_245, %eq3A_246 : vector<1x16xi32>
    %convert_element_type3A_248 = arith.extui %eq3A_247 : vector<1x16xi1> to vector<1x16xi32>
    %convert_element_type3A_249 = arith.sitofp %convert_element_type3A_248 : vector<1x16xi32> to vector<1x16xf32>
    %get3A_250 = arith.constant 0 : index
    %get3A_251 = arith.constant 0 : index
    %get3A_252 = vector.load %arg24[%get3A_250, %get3A_251] : memref<16x144xf32, #tpu.memory_space<vmem>>, vector<16x144xf32>
    %dot_general3A_253 = arith.constant dense<0.000000e+00> : vector<16x144xf32>
    %dot_general3A_254 = tpu.matmul %convert_element_type3A_249, %dot_general3A_244, %dot_general3A_253 {dimension_numbers = #tpu.dot_dimension_numbers<[0], [0], [1], [1], [0, 1, 1, 1], [], []>, transpose_lhs_hint = false} : vector<1x16xf32>, vector<1x144xf32>, vector<16x144xf32> -> vector<16x144xf32>
    %add3A_255 = arith.addf %get3A_252, %dot_general3A_254 : vector<16x144xf32>
    %swap3A_256 = arith.constant 0 : index
    %swap3A_257 = arith.constant 0 : index
    %swap3A_258 = vector.load %arg24[%swap3A_256, %swap3A_257] : memref<16x144xf32, #tpu.memory_space<vmem>>, vector<16x144xf32>
    tpu.vector_store %arg24[%swap3A_256, %swap3A_257], %add3A_255 {strides = array<i32>} : memref<16x144xf32, #tpu.memory_space<vmem>>, vector<16x144xf32>,
    %eq3A_259 = arith.constant 39 : i32
    %eq3A_260 = arith.cmpi eq, %arg0, %eq3A_259 : i32
    %convert_element_type3A_261 = arith.extui %eq3A_260 : i1 to i32
    %cond3A_262 = arith.constant 0 : i32
    %cond3A_263 = arith.cmpi ne, %convert_element_type3A_261, %cond3A_262 : i32
    scf.if %cond3A_263 {
      %get3A_264 = arith.constant 0 : index
      %get3A_265 = arith.constant 0 : index
      %get3A_266 = vector.load %arg24[%get3A_264, %get3A_265] : memref<16x144xf32, #tpu.memory_space<vmem>>, vector<16x144xf32>
      %swap3A_267 = arith.constant 0 : index
      %swap3A_268 = arith.constant 0 : index
      %swap3A_269 = vector.load %arg23[%swap3A_267, %swap3A_268] : memref<16x144xf32, #tpu.memory_space<vmem>>, vector<16x144xf32>
      tpu.vector_store %arg23[%swap3A_267, %swap3A_268], %get3A_266 {strides = array<i32>} : memref<16x144xf32, #tpu.memory_space<vmem>>, vector<16x144xf32>,
    } else {
    }
    return
  }
  func.func @transform_0(%arg0: i32) -> (i32, i32) {
    %add3A = arith.constant 40 : i32
    %add3A_0 = arith.addi %arg0, %add3A : i32
    %c0_i32 = arith.constant 0 : i32
    %c0_i32_1 = arith.constant 0 : i32
    return %add3A_0, %c0_i32 : i32, i32
  }
  func.func @transform_1(%arg0: i32) -> (i32, i32) {
    %c0_i32 = arith.constant 0 : i32
    %c0_i32_0 = arith.constant 0 : i32
    return %arg0, %c0_i32 : i32, i32
  }
  func.func @transform_2(%arg0: i32) -> (i32, i32) {
    %c0_i32 = arith.constant 0 : i32
    %c0_i32_0 = arith.constant 0 : i32
    return %arg0, %c0_i32 : i32, i32
  }
  func.func @transform_3(%arg0: i32) -> (i32, i32, i32, i32) {
    %add3A = arith.constant 40 : i32
    %add3A_0 = arith.addi %arg0, %add3A : i32
    %c0_i32 = arith.constant 0 : i32
    %c0_i32_1 = arith.constant 0 : i32
    %c0_i32_2 = arith.constant 0 : i32
    %c0_i32_3 = arith.constant 0 : i32
    return %c0_i32, %add3A_0, %c0_i32_1, %c0_i32_2 : i32, i32, i32, i32
  }
  func.func @transform_4(%arg0: i32) -> (i32, i32, i32, i32) {
    %add3A = arith.constant 40 : i32
    %add3A_0 = arith.addi %arg0, %add3A : i32
    %c1_i32 = arith.constant 1 : i32
    %c0_i32 = arith.constant 0 : i32
    %c0_i32_1 = arith.constant 0 : i32
    %c0_i32_2 = arith.constant 0 : i32
    return %c1_i32, %add3A_0, %c0_i32, %c0_i32_1 : i32, i32, i32, i32
  }
  func.func @transform_5(%arg0: i32) -> (i32, i32) {
    %c0_i32 = arith.constant 0 : i32
    %c0_i32_0 = arith.constant 0 : i32
    %c0_i32_1 = arith.constant 0 : i32
    return %c0_i32, %c0_i32_0 : i32, i32
  }
  func.func @transform_6(%arg0: i32) -> (i32, i32) {
    %c0_i32 = arith.constant 0 : i32
    %c0_i32_0 = arith.constant 0 : i32
    %c0_i32_1 = arith.constant 0 : i32
    return %c0_i32, %c0_i32_0 : i32, i32
  }
  func.func @transform_7(%arg0: i32) -> (i32, i32) {
    %c0_i32 = arith.constant 0 : i32
    %c0_i32_0 = arith.constant 0 : i32
    %c0_i32_1 = arith.constant 0 : i32
    return %c0_i32, %c0_i32_0 : i32, i32
  }
  func.func @transform_8(%arg0: i32) -> (i32, i32) {
    %c0_i32 = arith.constant 0 : i32
    %c0_i32_0 = arith.constant 0 : i32
    %c0_i32_1 = arith.constant 0 : i32
    return %c0_i32, %c0_i32_0 : i32, i32
  }
  func.func @transform_9(%arg0: i32) -> (i32, i32) {
    %c0_i32 = arith.constant 0 : i32
    %c0_i32_0 = arith.constant 0 : i32
    %c0_i32_1 = arith.constant 0 : i32
    return %c0_i32, %c0_i32_0 : i32, i32
  }
  func.func @transform_10(%arg0: i32) -> (i32, i32) {
    %c0_i32 = arith.constant 0 : i32
    %c0_i32_0 = arith.constant 0 : i32
    %c0_i32_1 = arith.constant 0 : i32
    return %c0_i32, %c0_i32_0 : i32, i32
  }
  func.func @transform_11(%arg0: i32) -> (i32, i32) {
    %c0_i32 = arith.constant 0 : i32
    %c0_i32_0 = arith.constant 0 : i32
    %c0_i32_1 = arith.constant 0 : i32
    return %c0_i32, %c0_i32_0 : i32, i32
  }
  func.func @transform_12(%arg0: i32) -> (i32, i32) {
    %c0_i32 = arith.constant 0 : i32
    %c0_i32_0 = arith.constant 0 : i32
    %c0_i32_1 = arith.constant 0 : i32
    return %c0_i32, %c0_i32_0 : i32, i32
  }
  func.func @transform_13(%arg0: i32) -> (i32, i32) {
    %c0_i32 = arith.constant 0 : i32
    %c0_i32_0 = arith.constant 0 : i32
    %c0_i32_1 = arith.constant 0 : i32
    return %c0_i32, %c0_i32_0 : i32, i32
  }
  func.func @transform_14(%arg0: i32) -> (i32, i32) {
    %c0_i32 = arith.constant 0 : i32
    %c0_i32_0 = arith.constant 0 : i32
    %c0_i32_1 = arith.constant 0 : i32
    return %c0_i32, %c0_i32_0 : i32, i32
  }
  func.func @transform_15(%arg0: i32) -> (i32, i32) {
    %c0_i32 = arith.constant 0 : i32
    %c0_i32_0 = arith.constant 0 : i32
    %c0_i32_1 = arith.constant 0 : i32
    return %c0_i32, %c0_i32_0 : i32, i32
  }
  func.func @transform_16(%arg0: i32) -> (i32, i32) {
    %c0_i32 = arith.constant 0 : i32
    %c0_i32_0 = arith.constant 0 : i32
    %c0_i32_1 = arith.constant 0 : i32
    return %c0_i32, %c0_i32_0 : i32, i32
  }
  func.func @transform_17(%arg0: i32) -> (i32, i32) {
    %c0_i32 = arith.constant 0 : i32
    %c0_i32_0 = arith.constant 0 : i32
    %c0_i32_1 = arith.constant 0 : i32
    return %c0_i32, %c0_i32_0 : i32, i32
  }
  func.func @transform_18(%arg0: i32) -> (i32, i32) {
    %c0_i32 = arith.constant 0 : i32
    %c0_i32_0 = arith.constant 0 : i32
    %c0_i32_1 = arith.constant 0 : i32
    return %c0_i32, %c0_i32_0 : i32, i32
  }
  func.func @transform_19(%arg0: i32) -> (i32, i32) {
    %c0_i32 = arith.constant 0 : i32
    %c0_i32_0 = arith.constant 0 : i32
    return %arg0, %c0_i32 : i32, i32
  }
  func.func @transform_20(%arg0: i32) -> (i32, i32, i32) {
    %jit3A = arith.constant 5 : i32
    %div3A = arith.divsi %arg0, %jit3A : i32
    %sign3A = arith.constant 0 : i32
    %sign3A_0 = arith.cmpi sgt, %arg0, %sign3A : i32
    %sign3A_1 = arith.extui %sign3A_0 : i1 to i32
    %sign3A_2 = arith.constant 0 : i32
    %sign3A_3 = arith.cmpi slt, %arg0, %sign3A_2 : i32
    %sign3A_4 = arith.extui %sign3A_3 : i1 to i32
    %sign3A_5 = arith.subi %sign3A_1, %sign3A_4 : i32
    %sign3A_6 = arith.constant 0 : i32
    %sign3A_7 = arith.cmpi sgt, %jit3A, %sign3A_6 : i32
    %sign3A_8 = arith.extui %sign3A_7 : i1 to i32
    %sign3A_9 = arith.constant 0 : i32
    %sign3A_10 = arith.cmpi slt, %jit3A, %sign3A_9 : i32
    %sign3A_11 = arith.extui %sign3A_10 : i1 to i32
    %sign3A_12 = arith.subi %sign3A_8, %sign3A_11 : i32
    %ne3A = arith.cmpi ne, %sign3A_5, %sign3A_12 : i32
    %rem3A = arith.remsi %arg0, %jit3A : i32
    %ne3A_13 = arith.constant 0 : i32
    %ne3A_14 = arith.cmpi ne, %rem3A, %ne3A_13 : i32
    %and3A = arith.andi %ne3A, %ne3A_14 : i1
    %sub3A = arith.constant 1 : i32
    %sub3A_15 = arith.subi %div3A, %sub3A : i32
    %select_n3A = arith.select %and3A, %sub3A_15, %div3A : i32
    %c0_i32 = arith.constant 0 : i32
    %c0_i32_16 = arith.constant 0 : i32
    %c0_i32_17 = arith.constant 0 : i32
    return %select_n3A, %c0_i32, %c0_i32_16 : i32, i32, i32
  }
  func.func @transform_21(%arg0: i32) -> (i32, i32, i32) {
    %jit3A = arith.constant 5 : i32
    %div3A = arith.divsi %arg0, %jit3A : i32
    %sign3A = arith.constant 0 : i32
    %sign3A_0 = arith.cmpi sgt, %arg0, %sign3A : i32
    %sign3A_1 = arith.extui %sign3A_0 : i1 to i32
    %sign3A_2 = arith.constant 0 : i32
    %sign3A_3 = arith.cmpi slt, %arg0, %sign3A_2 : i32
    %sign3A_4 = arith.extui %sign3A_3 : i1 to i32
    %sign3A_5 = arith.subi %sign3A_1, %sign3A_4 : i32
    %sign3A_6 = arith.constant 0 : i32
    %sign3A_7 = arith.cmpi sgt, %jit3A, %sign3A_6 : i32
    %sign3A_8 = arith.extui %sign3A_7 : i1 to i32
    %sign3A_9 = arith.constant 0 : i32
    %sign3A_10 = arith.cmpi slt, %jit3A, %sign3A_9 : i32
    %sign3A_11 = arith.extui %sign3A_10 : i1 to i32
    %sign3A_12 = arith.subi %sign3A_8, %sign3A_11 : i32
    %ne3A = arith.cmpi ne, %sign3A_5, %sign3A_12 : i32
    %rem3A = arith.remsi %arg0, %jit3A : i32
    %ne3A_13 = arith.constant 0 : i32
    %ne3A_14 = arith.cmpi ne, %rem3A, %ne3A_13 : i32
    %and3A = arith.andi %ne3A, %ne3A_14 : i1
    %sub3A = arith.constant 1 : i32
    %sub3A_15 = arith.subi %div3A, %sub3A : i32
    %select_n3A = arith.select %and3A, %sub3A_15, %div3A : i32
    %c0_i32 = arith.constant 0 : i32
    %c0_i32_16 = arith.constant 0 : i32
    %c0_i32_17 = arith.constant 0 : i32
    return %select_n3A, %c0_i32, %c0_i32_16 : i32, i32, i32
  }
  func.func @transform_22(%arg0: i32) -> (i32, i32) {
    %c0_i32 = arith.constant 0 : i32
    %c0_i32_0 = arith.constant 0 : i32
    %c0_i32_1 = arith.constant 0 : i32
    return %c0_i32, %c0_i32_0 : i32, i32
  }
}

module attributes {stable_mosaic.version = 14 : i64} {
  func.func @_node_kernel(%arg0: i32, %arg1: memref<1x640x128xf32, #tpu.memory_space<vmem>>, %arg2: memref<1x640x144xf32, #tpu.memory_space<vmem>>, %arg3: memref<1x640x144xf32, #tpu.memory_space<vmem>>, %arg4: memref<16x128xf32, #tpu.memory_space<vmem>>, %arg5: memref<128x128xbf16, #tpu.memory_space<vmem>>, %arg6: memref<128x128xbf16, #tpu.memory_space<vmem>>, %arg7: memref<128x128xbf16, #tpu.memory_space<vmem>>, %arg8: memref<128x128xf32, #tpu.memory_space<vmem>>, %arg9: memref<1x128xf32, #tpu.memory_space<vmem>>, %arg10: memref<128x128xbf16, #tpu.memory_space<vmem>>, %arg11: memref<128x128xf32, #tpu.memory_space<vmem>>, %arg12: memref<1x128xf32, #tpu.memory_space<vmem>>, %arg13: memref<128x128xbf16, #tpu.memory_space<vmem>>, %arg14: memref<1x640xbf16, #tpu.memory_space<vmem>>, %arg15: memref<1x640x128xf32, #tpu.memory_space<vmem>>, %arg16: memref<16x144xf32, #tpu.memory_space<vmem>>, %arg17: memref<16x144xf32, #tpu.memory_space<vmem>>) attributes {dimension_semantics = [#tpu.dimension_semantics<arbitrary>], iteration_bounds = array<i64: 16>, scalar_prefetch = 0 : i64, scratch_operands = 1 : i64, tpu.core_type = #tpu.core_type<tc>, window_params = [{transform_indices = @transform_0, window_bounds = array<i64: 1, 640, 128>}, {transform_indices = @transform_1, window_bounds = array<i64: 1, 640, 144>}, {transform_indices = @transform_2, window_bounds = array<i64: 1, 640, 144>}, {pipeline_mode = #tpu.pipeline_mode<synchronous>, transform_indices = @transform_3, window_bounds = array<i64: 16, 128>}, {pipeline_mode = #tpu.pipeline_mode<synchronous>, transform_indices = @transform_4, window_bounds = array<i64: 128, 128>}, {pipeline_mode = #tpu.pipeline_mode<synchronous>, transform_indices = @transform_5, window_bounds = array<i64: 128, 128>}, {pipeline_mode = #tpu.pipeline_mode<synchronous>, transform_indices = @transform_6, window_bounds = array<i64: 128, 128>}, {pipeline_mode = #tpu.pipeline_mode<synchronous>, transform_indices = @transform_7, window_bounds = array<i64: 128, 128>}, {pipeline_mode = #tpu.pipeline_mode<synchronous>, transform_indices = @transform_8, window_bounds = array<i64: 1, 128>}, {pipeline_mode = #tpu.pipeline_mode<synchronous>, transform_indices = @transform_9, window_bounds = array<i64: 128, 128>}, {pipeline_mode = #tpu.pipeline_mode<synchronous>, transform_indices = @transform_10, window_bounds = array<i64: 128, 128>}, {pipeline_mode = #tpu.pipeline_mode<synchronous>, transform_indices = @transform_11, window_bounds = array<i64: 1, 128>}, {pipeline_mode = #tpu.pipeline_mode<synchronous>, transform_indices = @transform_12, window_bounds = array<i64: 128, 128>}, {pipeline_mode = #tpu.pipeline_mode<synchronous>, transform_indices = @transform_13, window_bounds = array<i64: 1, 640>}, {transform_indices = @transform_14, window_bounds = array<i64: 1, 640, 128>}, {pipeline_mode = #tpu.pipeline_mode<synchronous>, transform_indices = @transform_15, window_bounds = array<i64: 16, 144>}]} {
    %eq3A = arith.constant 0 : i32
    %eq3A_0 = arith.cmpi eq, %arg0, %eq3A : i32
    %convert_element_type3A = arith.extui %eq3A_0 : i1 to i32
    %cond3A = arith.constant 0 : i32
    %cond3A_1 = arith.cmpi ne, %convert_element_type3A, %cond3A : i32
    scf.if %cond3A_1 {
      %broadcast_in_dim3A_141 = arith.constant 0.000000e+00 : f32
      %broadcast_in_dim3A_142 = vector.broadcast %broadcast_in_dim3A_141 : f32 to vector<16x144xf32>
      %swap3A_143 = arith.constant 0 : index
      %swap3A_144 = arith.constant 0 : index
      %swap3A_145 = vector.load %arg17[%swap3A_143, %swap3A_144] : memref<16x144xf32, #tpu.memory_space<vmem>>, vector<16x144xf32>
      tpu.vector_store %arg17[%swap3A_143, %swap3A_144], %broadcast_in_dim3A_142 {strides = array<i32>} : memref<16x144xf32, #tpu.memory_space<vmem>>, vector<16x144xf32>,
    } else {
    }
    %get3A = arith.constant 0 : index
    %get3A_2 = arith.constant 0 : index
    %get3A_3 = arith.constant 0 : index
    %get3A_4 = vector.load %arg1[%get3A, %get3A_2, %get3A_3] : memref<1x640x128xf32, #tpu.memory_space<vmem>>, vector<1x640x128xf32>
    %get3A_5 = vector.shape_cast %get3A_4 : vector<1x640x128xf32> to vector<640x128xf32>
    %convert_element_type3A_6 = arith.truncf %get3A_5 : vector<640x128xf32> to vector<640x128xbf16>
    %get3A_7 = arith.constant 0 : index
    %get3A_8 = arith.constant 0 : index
    %get3A_9 = arith.constant 0 : index
    %get3A_10 = vector.load %arg2[%get3A_7, %get3A_8, %get3A_9] : memref<1x640x144xf32, #tpu.memory_space<vmem>>, vector<1x640x144xf32>
    %get3A_11 = vector.shape_cast %get3A_10 : vector<1x640x144xf32> to vector<640x144xf32>
    %get3A_12 = arith.constant 0 : index
    %get3A_13 = arith.constant 0 : index
    %get3A_14 = arith.constant 0 : index
    %get3A_15 = vector.load %arg3[%get3A_12, %get3A_13, %get3A_14] : memref<1x640x144xf32, #tpu.memory_space<vmem>>, vector<1x640x144xf32>
    %get3A_16 = vector.shape_cast %get3A_15 : vector<1x640x144xf32> to vector<640x144xf32>
    %slice3A = vector.extract_strided_slice %get3A_11 {offsets = [0, 0], sizes = [640, 64], strides = [1, 1]} : vector<640x144xf32> to vector<640x64xf32>
    %slice3A_17 = vector.extract_strided_slice %get3A_11 {offsets = [0, 128], sizes = [640, 1], strides = [1, 1]} : vector<640x144xf32> to vector<640x1xf32>
    %add3A = arith.constant 1.000000e-16 : f32
    %add3A_18 = vector.broadcast %add3A : f32 to vector<640x1xf32>
    %add3A_19 = arith.addf %slice3A_17, %add3A_18 : vector<640x1xf32>
    %div3A = vector.broadcast %add3A_19 : vector<640x1xf32> to vector<640x64xf32>
    %div3A_20 = arith.divf %slice3A, %div3A : vector<640x64xf32>
    %slice3A_21 = vector.extract_strided_slice %get3A_11 {offsets = [0, 64], sizes = [640, 64], strides = [1, 1]} : vector<640x144xf32> to vector<640x64xf32>
    %slice3A_22 = vector.extract_strided_slice %get3A_11 {offsets = [0, 136], sizes = [640, 1], strides = [1, 1]} : vector<640x144xf32> to vector<640x1xf32>
    %add3A_23 = arith.constant 1.000000e-16 : f32
    %add3A_24 = vector.broadcast %add3A_23 : f32 to vector<640x1xf32>
    %add3A_25 = arith.addf %slice3A_22, %add3A_24 : vector<640x1xf32>
    %div3A_26 = vector.broadcast %add3A_25 : vector<640x1xf32> to vector<640x64xf32>
    %div3A_27 = arith.divf %slice3A_21, %div3A_26 : vector<640x64xf32>
    %concatenate3A = tpu.concatenate %div3A_20, %div3A_27 in 1 : vector<640x64xf32>, vector<640x64xf32> -> vector<640x128xf32>
    %slice3A_28 = vector.extract_strided_slice %get3A_16 {offsets = [0, 0], sizes = [640, 64], strides = [1, 1]} : vector<640x144xf32> to vector<640x64xf32>
    %slice3A_29 = vector.extract_strided_slice %get3A_16 {offsets = [0, 128], sizes = [640, 1], strides = [1, 1]} : vector<640x144xf32> to vector<640x1xf32>
    %add3A_30 = arith.constant 1.000000e-16 : f32
    %add3A_31 = vector.broadcast %add3A_30 : f32 to vector<640x1xf32>
    %add3A_32 = arith.addf %slice3A_29, %add3A_31 : vector<640x1xf32>
    %div3A_33 = vector.broadcast %add3A_32 : vector<640x1xf32> to vector<640x64xf32>
    %div3A_34 = arith.divf %slice3A_28, %div3A_33 : vector<640x64xf32>
    %slice3A_35 = vector.extract_strided_slice %get3A_16 {offsets = [0, 64], sizes = [640, 64], strides = [1, 1]} : vector<640x144xf32> to vector<640x64xf32>
    %slice3A_36 = vector.extract_strided_slice %get3A_16 {offsets = [0, 136], sizes = [640, 1], strides = [1, 1]} : vector<640x144xf32> to vector<640x1xf32>
    %add3A_37 = arith.constant 1.000000e-16 : f32
    %add3A_38 = vector.broadcast %add3A_37 : f32 to vector<640x1xf32>
    %add3A_39 = arith.addf %slice3A_36, %add3A_38 : vector<640x1xf32>
    %div3A_40 = vector.broadcast %add3A_39 : vector<640x1xf32> to vector<640x64xf32>
    %div3A_41 = arith.divf %slice3A_35, %div3A_40 : vector<640x64xf32>
    %concatenate3A_42 = tpu.concatenate %div3A_34, %div3A_41 in 1 : vector<640x64xf32>, vector<640x64xf32> -> vector<640x128xf32>
    %get3A_43 = arith.index_cast %arg0 : i32 to index
    %get3A_44 = arith.constant 0 : index
    %get3A_45 = vector.load %arg4[%get3A_43, %get3A_44] : memref<16x128xf32, #tpu.memory_space<vmem>>, vector<1x128xf32>
    %get3A_46 = arith.constant 0 : index
    %get3A_47 = arith.constant 0 : index
    %get3A_48 = vector.load %arg8[%get3A_46, %get3A_47] : memref<128x128xf32, #tpu.memory_space<vmem>>, vector<128x128xf32>
    %dot_general3A = arith.constant dense<0.000000e+00> : vector<1x128xf32>
    %dot_general3A_49 = tpu.matmul %get3A_45, %get3A_48, %dot_general3A {dimension_numbers = #tpu.dot_dimension_numbers<[1], [0], [0], [1], [0, 0, 1, 1], [], []>, transpose_lhs_hint = false} : vector<1x128xf32>, vector<128x128xf32>, vector<1x128xf32> -> vector<1x128xf32>
    %get3A_50 = arith.constant 0 : index
    %get3A_51 = arith.constant 0 : index
    %get3A_52 = vector.load %arg11[%get3A_50, %get3A_51] : memref<128x128xf32, #tpu.memory_space<vmem>>, vector<128x128xf32>
    %dot_general3A_53 = arith.constant dense<0.000000e+00> : vector<1x128xf32>
    %dot_general3A_54 = tpu.matmul %get3A_45, %get3A_52, %dot_general3A_53 {dimension_numbers = #tpu.dot_dimension_numbers<[1], [0], [0], [1], [0, 0, 1, 1], [], []>, transpose_lhs_hint = false} : vector<1x128xf32>, vector<128x128xf32>, vector<1x128xf32> -> vector<1x128xf32>
    %get3A_55 = arith.constant 0 : index
    %get3A_56 = arith.constant 0 : index
    %get3A_57 = vector.load %arg12[%get3A_55, %get3A_56] : memref<1x128xf32, #tpu.memory_space<vmem>>, vector<1x128xf32>
    %add3A_58 = arith.addf %dot_general3A_54, %get3A_57 : vector<1x128xf32>
    %get3A_59 = arith.constant 0 : index
    %get3A_60 = arith.constant 0 : index
    %get3A_61 = vector.load %arg5[%get3A_59, %get3A_60] : memref<128x128xbf16, #tpu.memory_space<vmem>>, vector<128x128xbf16>
    %dot_general3A_62 = arith.constant dense<0.000000e+00> : vector<640x128xf32>
    %dot_general3A_63 = tpu.matmul %convert_element_type3A_6, %get3A_61, %dot_general3A_62 {dimension_numbers = #tpu.dot_dimension_numbers<[1], [0], [0], [1], [0, 0, 1, 1], [], []>, transpose_lhs_hint = false} : vector<640x128xbf16>, vector<128x128xbf16>, vector<640x128xf32> -> vector<640x128xf32>
    %convert_element_type3A_64 = arith.truncf %concatenate3A : vector<640x128xf32> to vector<640x128xbf16>
    %get3A_65 = arith.constant 0 : index
    %get3A_66 = arith.constant 0 : index
    %get3A_67 = vector.load %arg6[%get3A_65, %get3A_66] : memref<128x128xbf16, #tpu.memory_space<vmem>>, vector<128x128xbf16>
    %dot_general3A_68 = arith.constant dense<0.000000e+00> : vector<640x128xf32>
    %dot_general3A_69 = tpu.matmul %convert_element_type3A_64, %get3A_67, %dot_general3A_68 {dimension_numbers = #tpu.dot_dimension_numbers<[1], [0], [0], [1], [0, 0, 1, 1], [], []>, transpose_lhs_hint = false} : vector<640x128xbf16>, vector<128x128xbf16>, vector<640x128xf32> -> vector<640x128xf32>
    %add3A_70 = arith.addf %dot_general3A_63, %dot_general3A_69 : vector<640x128xf32>
    %convert_element_type3A_71 = arith.truncf %concatenate3A_42 : vector<640x128xf32> to vector<640x128xbf16>
    %get3A_72 = arith.constant 0 : index
    %get3A_73 = arith.constant 0 : index
    %get3A_74 = vector.load %arg7[%get3A_72, %get3A_73] : memref<128x128xbf16, #tpu.memory_space<vmem>>, vector<128x128xbf16>
    %dot_general3A_75 = arith.constant dense<0.000000e+00> : vector<640x128xf32>
    %dot_general3A_76 = tpu.matmul %convert_element_type3A_71, %get3A_74, %dot_general3A_75 {dimension_numbers = #tpu.dot_dimension_numbers<[1], [0], [0], [1], [0, 0, 1, 1], [], []>, transpose_lhs_hint = false} : vector<640x128xbf16>, vector<128x128xbf16>, vector<640x128xf32> -> vector<640x128xf32>
    %add3A_77 = arith.addf %add3A_70, %dot_general3A_76 : vector<640x128xf32>
    %add3A_78 = vector.broadcast %dot_general3A_49 : vector<1x128xf32> to vector<640x128xf32>
    %add3A_79 = arith.addf %add3A_77, %add3A_78 : vector<640x128xf32>
    %get3A_80 = arith.constant 0 : index
    %get3A_81 = arith.constant 0 : index
    %get3A_82 = vector.load %arg9[%get3A_80, %get3A_81] : memref<1x128xf32, #tpu.memory_space<vmem>>, vector<1x128xf32>
    %add3A_83 = vector.broadcast %get3A_82 : vector<1x128xf32> to vector<640x128xf32>
    %add3A_84 = arith.addf %add3A_79, %add3A_83 : vector<640x128xf32>
    %broadcast_in_dim3A = vector.shape_cast %add3A_84 : vector<640x128xf32> to vector<1x640x128xf32>
    %swap3A = arith.constant 0 : index
    %swap3A_85 = arith.constant 0 : index
    %swap3A_86 = arith.constant 0 : index
    %swap3A_87 = vector.load %arg15[%swap3A, %swap3A_85, %swap3A_86] : memref<1x640x128xf32, #tpu.memory_space<vmem>>, vector<1x640x128xf32>
    tpu.vector_store %arg15[%swap3A, %swap3A_85, %swap3A_86], %broadcast_in_dim3A {strides = array<i32>} : memref<1x640x128xf32, #tpu.memory_space<vmem>>, vector<1x640x128xf32>,
    %convert_element_type3A_88 = arith.truncf %add3A_84 : vector<640x128xf32> to vector<640x128xbf16>
    %get3A_89 = arith.constant 0 : index
    %get3A_90 = arith.constant 0 : index
    %get3A_91 = vector.load %arg10[%get3A_89, %get3A_90] : memref<128x128xbf16, #tpu.memory_space<vmem>>, vector<128x128xbf16>
    %dot_general3A_92 = arith.constant dense<0.000000e+00> : vector<640x128xf32>
    %dot_general3A_93 = tpu.matmul %convert_element_type3A_88, %get3A_91, %dot_general3A_92 {dimension_numbers = #tpu.dot_dimension_numbers<[1], [0], [0], [1], [0, 0, 1, 1], [], []>, transpose_lhs_hint = false} : vector<640x128xbf16>, vector<128x128xbf16>, vector<640x128xf32> -> vector<640x128xf32>
    %add3A_94 = vector.broadcast %add3A_58 : vector<1x128xf32> to vector<640x128xf32>
    %add3A_95 = arith.addf %dot_general3A_93, %add3A_94 : vector<640x128xf32>
    %ge3A = arith.constant 0.000000e+00 : f32
    %ge3A_96 = vector.broadcast %ge3A : f32 to vector<640x128xf32>
    %ge3A_97 = arith.cmpf oge, %add3A_95, %ge3A_96 : vector<640x128xf32>
    %mul3A = arith.constant 0.00999999977 : f32
    %mul3A_98 = vector.broadcast %mul3A : f32 to vector<640x128xf32>
    %mul3A_99 = arith.mulf %mul3A_98, %add3A_95 : vector<640x128xf32>
    %select_n3A = arith.select %ge3A_97, %add3A_95, %mul3A_99 : vector<640x128xi1>, vector<640x128xf32>
    %convert_element_type3A_100 = arith.truncf %select_n3A : vector<640x128xf32> to vector<640x128xbf16>
    %get3A_101 = arith.constant 0 : index
    %get3A_102 = arith.constant 0 : index
    %get3A_103 = vector.load %arg13[%get3A_101, %get3A_102] : memref<128x128xbf16, #tpu.memory_space<vmem>>, vector<128x128xbf16>
    %dot_general3A_104 = arith.constant dense<0.000000e+00> : vector<640x128xf32>
    %dot_general3A_105 = tpu.matmul %convert_element_type3A_100, %get3A_103, %dot_general3A_104 {dimension_numbers = #tpu.dot_dimension_numbers<[1], [0], [0], [1], [0, 0, 1, 1], [], []>, transpose_lhs_hint = false} : vector<640x128xbf16>, vector<128x128xbf16>, vector<640x128xf32> -> vector<640x128xf32>
    %exp3A = math.exp %dot_general3A_105 : vector<640x128xf32>
    %iota3A = tpu.iota {dimensions = array<i32: 0>} : vector<640x1xi32>
    %lt3A = arith.constant 625 : i32
    %lt3A_106 = vector.broadcast %lt3A : i32 to vector<640x1xi32>
    %lt3A_107 = arith.cmpi slt, %iota3A, %lt3A_106 : vector<640x1xi32>
    %convert_element_type3A_108 = arith.extui %lt3A_107 : vector<640x1xi1> to vector<640x1xi32>
    %convert_element_type3A_109 = arith.sitofp %convert_element_type3A_108 : vector<640x1xi32> to vector<640x1xf32>
    %mul3A_110 = vector.broadcast %convert_element_type3A_109 : vector<640x1xf32> to vector<640x128xf32>
    %mul3A_111 = arith.mulf %exp3A, %mul3A_110 : vector<640x128xf32>
    %mul3A_112 = arith.mulf %mul3A_111, %add3A_84 : vector<640x128xf32>
    %slice3A_113 = vector.extract_strided_slice %mul3A_111 {offsets = [0, 0], sizes = [640, 8], strides = [1, 1]} : vector<640x128xf32> to vector<640x8xf32>
    %slice3A_114 = vector.extract_strided_slice %mul3A_111 {offsets = [0, 64], sizes = [640, 8], strides = [1, 1]} : vector<640x128xf32> to vector<640x8xf32>
    %concatenate3A_115 = tpu.concatenate %mul3A_112, %slice3A_113, %slice3A_114 in 1 : vector<640x128xf32>, vector<640x8xf32>, vector<640x8xf32> -> vector<640x144xf32>
    %get3A_116 = arith.constant 0 : index
    %get3A_117 = arith.constant 0 : index
    %get3A_118 = vector.load %arg14[%get3A_116, %get3A_117] : memref<1x640xbf16, #tpu.memory_space<vmem>>, vector<1x640xbf16>
    %convert_element_type3A_119 = arith.truncf %concatenate3A_115 : vector<640x144xf32> to vector<640x144xbf16>
    %dot_general3A_120 = arith.constant dense<0.000000e+00> : vector<1x144xf32>
    %dot_general3A_121 = tpu.matmul %get3A_118, %convert_element_type3A_119, %dot_general3A_120 {dimension_numbers = #tpu.dot_dimension_numbers<[1], [0], [0], [1], [0, 0, 1, 1], [], []>, transpose_lhs_hint = false} : vector<1x640xbf16>, vector<640x144xbf16>, vector<1x144xf32> -> vector<1x144xf32>
    %iota3A_122 = tpu.iota {dimensions = array<i32: 1>} : vector<1x16xi32>
    %eq3A_123 = vector.broadcast %arg0 : i32 to vector<1x16xi32>
    %eq3A_124 = arith.cmpi eq, %iota3A_122, %eq3A_123 : vector<1x16xi32>
    %convert_element_type3A_125 = arith.extui %eq3A_124 : vector<1x16xi1> to vector<1x16xi32>
    %convert_element_type3A_126 = arith.sitofp %convert_element_type3A_125 : vector<1x16xi32> to vector<1x16xf32>
    %get3A_127 = arith.constant 0 : index
    %get3A_128 = arith.constant 0 : index
    %get3A_129 = vector.load %arg17[%get3A_127, %get3A_128] : memref<16x144xf32, #tpu.memory_space<vmem>>, vector<16x144xf32>
    %dot_general3A_130 = arith.constant dense<0.000000e+00> : vector<16x144xf32>
    %dot_general3A_131 = tpu.matmul %convert_element_type3A_126, %dot_general3A_121, %dot_general3A_130 {dimension_numbers = #tpu.dot_dimension_numbers<[0], [0], [1], [1], [0, 1, 1, 1], [], []>, transpose_lhs_hint = false} : vector<1x16xf32>, vector<1x144xf32>, vector<16x144xf32> -> vector<16x144xf32>
    %add3A_132 = arith.addf %get3A_129, %dot_general3A_131 : vector<16x144xf32>
    %swap3A_133 = arith.constant 0 : index
    %swap3A_134 = arith.constant 0 : index
    %swap3A_135 = vector.load %arg17[%swap3A_133, %swap3A_134] : memref<16x144xf32, #tpu.memory_space<vmem>>, vector<16x144xf32>
    tpu.vector_store %arg17[%swap3A_133, %swap3A_134], %add3A_132 {strides = array<i32>} : memref<16x144xf32, #tpu.memory_space<vmem>>, vector<16x144xf32>,
    %eq3A_136 = arith.constant 15 : i32
    %eq3A_137 = arith.cmpi eq, %arg0, %eq3A_136 : i32
    %convert_element_type3A_138 = arith.extui %eq3A_137 : i1 to i32
    %cond3A_139 = arith.constant 0 : i32
    %cond3A_140 = arith.cmpi ne, %convert_element_type3A_138, %cond3A_139 : i32
    scf.if %cond3A_140 {
      %get3A_141 = arith.constant 0 : index
      %get3A_142 = arith.constant 0 : index
      %get3A_143 = vector.load %arg17[%get3A_141, %get3A_142] : memref<16x144xf32, #tpu.memory_space<vmem>>, vector<16x144xf32>
      %swap3A_144 = arith.constant 0 : index
      %swap3A_145 = arith.constant 0 : index
      %swap3A_146 = vector.load %arg16[%swap3A_144, %swap3A_145] : memref<16x144xf32, #tpu.memory_space<vmem>>, vector<16x144xf32>
      tpu.vector_store %arg16[%swap3A_144, %swap3A_145], %get3A_143 {strides = array<i32>} : memref<16x144xf32, #tpu.memory_space<vmem>>, vector<16x144xf32>,
    } else {
    }
    return
  }
  func.func @transform_0(%arg0: i32) -> (i32, i32, i32) {
    %c0_i32 = arith.constant 0 : i32
    %c0_i32_0 = arith.constant 0 : i32
    %c0_i32_1 = arith.constant 0 : i32
    return %arg0, %c0_i32, %c0_i32_0 : i32, i32, i32
  }
  func.func @transform_1(%arg0: i32) -> (i32, i32, i32) {
    %c0_i32 = arith.constant 0 : i32
    %c0_i32_0 = arith.constant 0 : i32
    %c0_i32_1 = arith.constant 0 : i32
    return %arg0, %c0_i32, %c0_i32_0 : i32, i32, i32
  }
  func.func @transform_2(%arg0: i32) -> (i32, i32, i32) {
    %c0_i32 = arith.constant 0 : i32
    %c0_i32_0 = arith.constant 0 : i32
    %c0_i32_1 = arith.constant 0 : i32
    return %arg0, %c0_i32, %c0_i32_0 : i32, i32, i32
  }
  func.func @transform_3(%arg0: i32) -> (i32, i32) {
    %c0_i32 = arith.constant 0 : i32
    %c0_i32_0 = arith.constant 0 : i32
    %c0_i32_1 = arith.constant 0 : i32
    return %c0_i32, %c0_i32_0 : i32, i32
  }
  func.func @transform_4(%arg0: i32) -> (i32, i32) {
    %c0_i32 = arith.constant 0 : i32
    %c0_i32_0 = arith.constant 0 : i32
    %c0_i32_1 = arith.constant 0 : i32
    return %c0_i32, %c0_i32_0 : i32, i32
  }
  func.func @transform_5(%arg0: i32) -> (i32, i32) {
    %c0_i32 = arith.constant 0 : i32
    %c0_i32_0 = arith.constant 0 : i32
    %c0_i32_1 = arith.constant 0 : i32
    return %c0_i32, %c0_i32_0 : i32, i32
  }
  func.func @transform_6(%arg0: i32) -> (i32, i32) {
    %c0_i32 = arith.constant 0 : i32
    %c0_i32_0 = arith.constant 0 : i32
    %c0_i32_1 = arith.constant 0 : i32
    return %c0_i32, %c0_i32_0 : i32, i32
  }
  func.func @transform_7(%arg0: i32) -> (i32, i32) {
    %c0_i32 = arith.constant 0 : i32
    %c0_i32_0 = arith.constant 0 : i32
    %c0_i32_1 = arith.constant 0 : i32
    return %c0_i32, %c0_i32_0 : i32, i32
  }
  func.func @transform_8(%arg0: i32) -> (i32, i32) {
    %c0_i32 = arith.constant 0 : i32
    %c0_i32_0 = arith.constant 0 : i32
    %c0_i32_1 = arith.constant 0 : i32
    return %c0_i32, %c0_i32_0 : i32, i32
  }
  func.func @transform_9(%arg0: i32) -> (i32, i32) {
    %c0_i32 = arith.constant 0 : i32
    %c0_i32_0 = arith.constant 0 : i32
    %c0_i32_1 = arith.constant 0 : i32
    return %c0_i32, %c0_i32_0 : i32, i32
  }
  func.func @transform_10(%arg0: i32) -> (i32, i32) {
    %c0_i32 = arith.constant 0 : i32
    %c0_i32_0 = arith.constant 0 : i32
    %c0_i32_1 = arith.constant 0 : i32
    return %c0_i32, %c0_i32_0 : i32, i32
  }
  func.func @transform_11(%arg0: i32) -> (i32, i32) {
    %c0_i32 = arith.constant 0 : i32
    %c0_i32_0 = arith.constant 0 : i32
    %c0_i32_1 = arith.constant 0 : i32
    return %c0_i32, %c0_i32_0 : i32, i32
  }
  func.func @transform_12(%arg0: i32) -> (i32, i32) {
    %c0_i32 = arith.constant 0 : i32
    %c0_i32_0 = arith.constant 0 : i32
    %c0_i32_1 = arith.constant 0 : i32
    return %c0_i32, %c0_i32_0 : i32, i32
  }
  func.func @transform_13(%arg0: i32) -> (i32, i32) {
    %c0_i32 = arith.constant 0 : i32
    %c0_i32_0 = arith.constant 0 : i32
    %c0_i32_1 = arith.constant 0 : i32
    return %c0_i32, %c0_i32_0 : i32, i32
  }
  func.func @transform_14(%arg0: i32) -> (i32, i32, i32) {
    %c0_i32 = arith.constant 0 : i32
    %c0_i32_0 = arith.constant 0 : i32
    %c0_i32_1 = arith.constant 0 : i32
    return %arg0, %c0_i32, %c0_i32_0 : i32, i32, i32
  }
  func.func @transform_15(%arg0: i32) -> (i32, i32) {
    %c0_i32 = arith.constant 0 : i32
    %c0_i32_0 = arith.constant 0 : i32
    %c0_i32_1 = arith.constant 0 : i32
    return %c0_i32, %c0_i32_0 : i32, i32
  }
}

module attributes {stable_mosaic.version = 14 : i64} {
  func.func @_global_kernel(%arg0: memref<16x128xf32, #tpu.memory_space<vmem>>, %arg1: memref<16x144xf32, #tpu.memory_space<vmem>>, %arg2: memref<16x144xf32, #tpu.memory_space<vmem>>, %arg3: memref<128x128xf32, #tpu.memory_space<vmem>>, %arg4: memref<128x128xf32, #tpu.memory_space<vmem>>, %arg5: memref<128x128xf32, #tpu.memory_space<vmem>>, %arg6: memref<1x128xf32, #tpu.memory_space<vmem>>, %arg7: memref<16x128xf32, #tpu.memory_space<vmem>>) attributes {dimension_semantics = [], scalar_prefetch = 0 : i64, scratch_operands = 0 : i64, tpu.core_type = #tpu.core_type<tc>} {
    %get3A = arith.constant 0 : index
    %get3A_0 = arith.constant 0 : index
    %get3A_1 = vector.load %arg1[%get3A, %get3A_0] : memref<16x144xf32, #tpu.memory_space<vmem>>, vector<16x144xf32>
    %get3A_2 = arith.constant 0 : index
    %get3A_3 = arith.constant 0 : index
    %get3A_4 = vector.load %arg2[%get3A_2, %get3A_3] : memref<16x144xf32, #tpu.memory_space<vmem>>, vector<16x144xf32>
    %slice3A = vector.extract_strided_slice %get3A_1 {offsets = [0, 0], sizes = [16, 64], strides = [1, 1]} : vector<16x144xf32> to vector<16x64xf32>
    %slice3A_5 = vector.extract_strided_slice %get3A_1 {offsets = [0, 128], sizes = [16, 1], strides = [1, 1]} : vector<16x144xf32> to vector<16x1xf32>
    %add3A = arith.constant 1.000000e-16 : f32
    %add3A_6 = vector.broadcast %add3A : f32 to vector<16x1xf32>
    %add3A_7 = arith.addf %slice3A_5, %add3A_6 : vector<16x1xf32>
    %div3A = vector.broadcast %add3A_7 : vector<16x1xf32> to vector<16x64xf32>
    %div3A_8 = arith.divf %slice3A, %div3A : vector<16x64xf32>
    %slice3A_9 = vector.extract_strided_slice %get3A_1 {offsets = [0, 64], sizes = [16, 64], strides = [1, 1]} : vector<16x144xf32> to vector<16x64xf32>
    %slice3A_10 = vector.extract_strided_slice %get3A_1 {offsets = [0, 136], sizes = [16, 1], strides = [1, 1]} : vector<16x144xf32> to vector<16x1xf32>
    %add3A_11 = arith.constant 1.000000e-16 : f32
    %add3A_12 = vector.broadcast %add3A_11 : f32 to vector<16x1xf32>
    %add3A_13 = arith.addf %slice3A_10, %add3A_12 : vector<16x1xf32>
    %div3A_14 = vector.broadcast %add3A_13 : vector<16x1xf32> to vector<16x64xf32>
    %div3A_15 = arith.divf %slice3A_9, %div3A_14 : vector<16x64xf32>
    %concatenate3A = tpu.concatenate %div3A_8, %div3A_15 in 1 : vector<16x64xf32>, vector<16x64xf32> -> vector<16x128xf32>
    %slice3A_16 = vector.extract_strided_slice %get3A_4 {offsets = [0, 0], sizes = [16, 64], strides = [1, 1]} : vector<16x144xf32> to vector<16x64xf32>
    %slice3A_17 = vector.extract_strided_slice %get3A_4 {offsets = [0, 128], sizes = [16, 1], strides = [1, 1]} : vector<16x144xf32> to vector<16x1xf32>
    %add3A_18 = arith.constant 1.000000e-16 : f32
    %add3A_19 = vector.broadcast %add3A_18 : f32 to vector<16x1xf32>
    %add3A_20 = arith.addf %slice3A_17, %add3A_19 : vector<16x1xf32>
    %div3A_21 = vector.broadcast %add3A_20 : vector<16x1xf32> to vector<16x64xf32>
    %div3A_22 = arith.divf %slice3A_16, %div3A_21 : vector<16x64xf32>
    %slice3A_23 = vector.extract_strided_slice %get3A_4 {offsets = [0, 64], sizes = [16, 64], strides = [1, 1]} : vector<16x144xf32> to vector<16x64xf32>
    %slice3A_24 = vector.extract_strided_slice %get3A_4 {offsets = [0, 136], sizes = [16, 1], strides = [1, 1]} : vector<16x144xf32> to vector<16x1xf32>
    %add3A_25 = arith.constant 1.000000e-16 : f32
    %add3A_26 = vector.broadcast %add3A_25 : f32 to vector<16x1xf32>
    %add3A_27 = arith.addf %slice3A_24, %add3A_26 : vector<16x1xf32>
    %div3A_28 = vector.broadcast %add3A_27 : vector<16x1xf32> to vector<16x64xf32>
    %div3A_29 = arith.divf %slice3A_23, %div3A_28 : vector<16x64xf32>
    %concatenate3A_30 = tpu.concatenate %div3A_22, %div3A_29 in 1 : vector<16x64xf32>, vector<16x64xf32> -> vector<16x128xf32>
    %get3A_31 = arith.constant 0 : index
    %get3A_32 = arith.constant 0 : index
    %get3A_33 = vector.load %arg0[%get3A_31, %get3A_32] : memref<16x128xf32, #tpu.memory_space<vmem>>, vector<16x128xf32>
    %get3A_34 = arith.constant 0 : index
    %get3A_35 = arith.constant 0 : index
    %get3A_36 = vector.load %arg3[%get3A_34, %get3A_35] : memref<128x128xf32, #tpu.memory_space<vmem>>, vector<128x128xf32>
    %dot_general3A = arith.constant dense<0.000000e+00> : vector<16x128xf32>
    %dot_general3A_37 = tpu.matmul %get3A_33, %get3A_36, %dot_general3A {dimension_numbers = #tpu.dot_dimension_numbers<[1], [0], [0], [1], [0, 0, 1, 1], [], []>, transpose_lhs_hint = false} : vector<16x128xf32>, vector<128x128xf32>, vector<16x128xf32> -> vector<16x128xf32>
    %get3A_38 = arith.constant 0 : index
    %get3A_39 = arith.constant 0 : index
    %get3A_40 = vector.load %arg4[%get3A_38, %get3A_39] : memref<128x128xf32, #tpu.memory_space<vmem>>, vector<128x128xf32>
    %dot_general3A_41 = arith.constant dense<0.000000e+00> : vector<16x128xf32>
    %dot_general3A_42 = tpu.matmul %concatenate3A, %get3A_40, %dot_general3A_41 {dimension_numbers = #tpu.dot_dimension_numbers<[1], [0], [0], [1], [0, 0, 1, 1], [], []>, transpose_lhs_hint = false} : vector<16x128xf32>, vector<128x128xf32>, vector<16x128xf32> -> vector<16x128xf32>
    %add3A_43 = arith.addf %dot_general3A_37, %dot_general3A_42 : vector<16x128xf32>
    %get3A_44 = arith.constant 0 : index
    %get3A_45 = arith.constant 0 : index
    %get3A_46 = vector.load %arg5[%get3A_44, %get3A_45] : memref<128x128xf32, #tpu.memory_space<vmem>>, vector<128x128xf32>
    %dot_general3A_47 = arith.constant dense<0.000000e+00> : vector<16x128xf32>
    %dot_general3A_48 = tpu.matmul %concatenate3A_30, %get3A_46, %dot_general3A_47 {dimension_numbers = #tpu.dot_dimension_numbers<[1], [0], [0], [1], [0, 0, 1, 1], [], []>, transpose_lhs_hint = false} : vector<16x128xf32>, vector<128x128xf32>, vector<16x128xf32> -> vector<16x128xf32>
    %add3A_49 = arith.addf %add3A_43, %dot_general3A_48 : vector<16x128xf32>
    %get3A_50 = arith.constant 0 : index
    %get3A_51 = arith.constant 0 : index
    %get3A_52 = vector.load %arg6[%get3A_50, %get3A_51] : memref<1x128xf32, #tpu.memory_space<vmem>>, vector<1x128xf32>
    %add3A_53 = vector.broadcast %get3A_52 : vector<1x128xf32> to vector<16x128xf32>
    %add3A_54 = arith.addf %add3A_49, %add3A_53 : vector<16x128xf32>
    %swap3A = arith.constant 0 : index
    %swap3A_55 = arith.constant 0 : index
    %swap3A_56 = vector.load %arg7[%swap3A, %swap3A_55] : memref<16x128xf32, #tpu.memory_space<vmem>>, vector<16x128xf32>
    tpu.vector_store %arg7[%swap3A, %swap3A_55], %add3A_54 {strides = array<i32>} : memref<16x128xf32, #tpu.memory_space<vmem>>, vector<16x128xf32>,
    return
  }
}

</mosaic_0001>

<sc_bundles>
// kernel: kernel.11.cloned.1.call-start
scs
__scs_entry_jumppad:
0x0: {  	(pc) =	sbr.rel $0x88, $3  }
0x1: {  	(tag) =	ssettag $0x0;
	lr =	simm.s32 $0x1  }
0x2: {  	[smem:$0x3F8C] =	sst lr;
	_ =	strace $0xD0000000  }
0x3: {  	_ = 	snop  }
0x4: {  	_ = 	snop  }
0x5: {  	_ = 	snop  }
0x6: {  	_ = 	snop  }
0x7: {  	_ = 	snop  }
__scs_overlays_trampoline_lowered:
0x8: {  	[smem:$0x3F9B] =	sst s0  }
0x9: {  	[smem:$0x3F9C] =	sst s1  }
0xa: {  	[smem:$0x3F9D] =	sst s2  }
0xb: {  	[smem:$0x3F9E] =	sst s3  }
0xc: {  	[smem:$0x3F9F] =	sst s4  }
0xd: {  	[smem:$0x3FA0] =	sst s5  }
0xe: {  	[smem:$0x3FA1] =	sst s6  }
0xf: {  	[smem:$0x3FA2] =	sst s7  }
0x10: {  	[smem:$0x3FA3] =	sst s8  }
0x11: {  	[smem:$0x3FA4] =	sst s9;
	s0 =	simm.s32 @!p0 $0x0  }
0x12: {  	s1 =	sld [smem:$0x3F8A];
	s0 =	simm.s32 @p0 $0x1  }
0x13: {  	[smem:$0x3FA5] =	sst s0;
	s0 =	simm.s32 @!p1 $0x0  }
0x14: {  	s2 =	sld [smem:$0x3F89];
	s0 =	simm.s32 @p1 $0x1  }
0x15: {  	[smem:$0x3FA6] =	sst s0;
	s0 =	simm.s32 @!p2 $0x0  }
0x16: {  	s3 =	sld [smem:$0x3FDB];
	s0 =	simm.s32 @p2 $0x1  }
0x17: {  	s4 =	simm.s32 $0x1BF5;
	[smem:$0x3FA8] =	sst s0  }
0x18: {  	s0 =	sld [smem:$0x3F8B];
	_ =	swait.ge [sflag:s4], $0x0  }
0x19: {  	s7 =	sld [smem:$0x3F8C]  }
0x1a: {  	s8 =	sadd.s32 $0xFFFFE003, lr  }
0x1b: {  	s9 =	sadd.s32 $0xFFFFFEF7, lr;
	s5 =	simm.s32 $0xFFFFFFFF;
	p2 =	slt.u32 s8, $0xFFFFF086  }
0x1c: {  	p1 =	slt.u32 s9, $0xF7A;
	s5 =	simm.s32 @!p2 $0x0  }
0x1d: {  	s5 =	simm.s32 @p1 $0x1;
	p0 =	seq.s32 s7, s2  }
0x1e: {  	s7 =	smul.u32 @!p0 $0xF7A, s2;
	p2 =	seq.s32 @!p0 s5, $0x0  }
0x1f: {  	s9 =	smul.u32 $0xF7A, s1;
	s8 =	simm.s32 @!p0 $0x1BF5;
	p2 =	por !p2, p0  }
0x20: {  	[sflag:s8] =	ssyncset.s32 @!p0 $0xFFFFF086;
	s6 =	sadd.s32 @!p0 s3, s7;
	s7 =	simm.s32 @!p0 $0x108  }
0x21: {  	s3 =	sadd.s32 s3, s9;
	s6 =	sadd.s32 @!p0 $0x88, s6;
	s7 =	simm.s32 @p2 $0x1082  }
0x22: {  	[simem:s7], [sflag:s8] =	dma.local @!p0 [hbm:s6], $0xF7A  }
0x23: {  	s9 =	sor.u32 $0xD0000000, s2;
	s6 =	simm.s32 $0x108;
	_ =	swait.ge @!p0 [sflag:s8], $0x0  }
0x24: {  	s3 =	sadd.s32 $0x88, s3;
	s6 =	simm.s32 @!p1 $0x1082;
	[sflag:s4] =	ssyncset.s32 $0xFFFFF086  }
0x25: {  	[simem:s6], [sflag:s4] =	dma.local [hbm:s3], $0xF7A  }
0x26: {  	[smem:$0x3F8C] =	sst s1;
	(tag) =	ssettag s2;
	_ =	strace s9  }
0x27: {  	s1 =	sld [smem:$0x3F9C]  }
0x28: {  	s2 =	sld [smem:$0x3F9D]  }
0x29: {  	s4 =	sld [smem:$0x3F9F]  }
0x2a: {  	p0 =	seq.s32 s5, $0x0;
	s5 =	sld [smem:$0x3FA0]  }
0x2b: {  	s6 =	sld [smem:$0x3FA1]  }
0x2c: {  	s7 =	sld [smem:$0x3FA2]  }
0x2d: {  	s3 =	simm.s32 $0x108;
	s8 =	sld [smem:$0x3FA3]  }
0x2e: {  	s3 =	simm.s32 @!p0 $0x1082;
	s9 =	sld [smem:$0x3FA4]  }
0x2f: {  	lr =	sadd.s32 s0, s3;
	s0 =	sld [smem:$0x3F9B]  }
0x30: {  	s3 =	sld [smem:$0x3F9E]  }
0x31: {  	[smem:$0x3FA7] =	sst s10  }
0x32: {  	s10 =	sld [smem:$0x3FA5];
	_ =	sdelay $0x3  }
0x33: {  	p0 =	seq.s32 s10, $0x1;
	s10 =	sld [smem:$0x3FA7];
	_ =	sdelay $0x3  }
0x34: {  	[smem:$0x3FA7] =	sst s10  }
0x35: {  	s10 =	sld [smem:$0x3FA6];
	_ =	sdelay $0x3  }
0x36: {  	p1 =	seq.s32 s10, $0x1;
	s10 =	sld [smem:$0x3FA7];
	_ =	sdelay $0x3  }
0x37: {  	[smem:$0x3FA7] =	sst s10  }
0x38: {  	s10 =	sld [smem:$0x3FA8]  }
0x39: {  	_ = 	snop;
	(pc) =	sbr.ind lr, $3  }
0x3a: {  	_ = 	snop  }
0x3b: {  	_ = 	snop  }
0x3c: {  	p2 =	seq.s32 s10, $0x1;
	s10 =	sld [smem:$0x3FA7]  }
0x3d: {  	_ =	shalt  }
0x3e: {  	_ =	shalt  }
0x3f: {  	_ =	shalt  }
0x40: {  	_ =	shalt  }
0x41: {  	_ =	shalt  }
0x42: {  	_ =	shalt  }
0x43: {  	_ =	shalt  }
0x44: {  	_ =	shalt  }
0x45: {  	_ =	shalt  }
0x46: {  	_ =	shalt  }
0x47: {  	_ =	shalt  }
0x48: {  	_ =	shalt  }
0x49: {  	_ =	shalt  }
0x4a: {  	_ =	shalt  }
0x4b: {  	_ =	shalt  }
0x4c: {  	_ =	shalt  }
0x4d: {  	_ =	shalt  }
0x4e: {  	_ =	shalt  }
0x4f: {  	_ =	shalt  }
0x50: {  	_ =	shalt  }
0x51: {  	_ =	shalt  }
0x52: {  	_ =	shalt  }
0x53: {  	_ =	shalt  }
0x54: {  	_ =	shalt  }
0x55: {  	_ =	shalt  }
0x56: {  	_ =	shalt  }
0x57: {  	_ =	shalt  }
0x58: {  	_ =	shalt  }
0x59: {  	_ =	shalt  }
0x5a: {  	_ =	shalt  }
0x5b: {  	_ =	shalt  }
0x5c: {  	_ =	shalt  }
0x5d: {  	_ =	shalt  }
0x5e: {  	_ =	shalt  }
0x5f: {  	_ =	shalt  }
0x60: {  	_ =	shalt  }
0x61: {  	_ =	shalt  }
0x62: {  	_ =	shalt  }
0x63: {  	_ =	shalt  }
0x64: {  	_ =	shalt  }
0x65: {  	_ =	shalt  }
0x66: {  	_ =	shalt  }
0x67: {  	_ =	shalt  }
0x68: {  	_ =	shalt  }
0x69: {  	_ =	shalt  }
0x6a: {  	_ =	shalt  }
0x6b: {  	_ =	shalt  }
0x6c: {  	_ =	shalt  }
0x6d: {  	_ =	shalt  }
0x6e: {  	_ =	shalt  }
0x6f: {  	_ =	shalt  }
0x70: {  	_ =	shalt  }
0x71: {  	_ =	shalt  }
0x72: {  	_ =	shalt  }
0x73: {  	_ =	shalt  }
0x74: {  	_ =	shalt  }
0x75: {  	_ =	shalt  }
0x76: {  	_ =	shalt  }
0x77: {  	_ =	shalt  }
0x78: {  	_ =	shalt  }
0x79: {  	_ =	shalt  }
0x7a: {  	_ =	shalt  }
0x7b: {  	_ =	shalt  }
0x7c: {  	_ =	shalt  }
0x7d: {  	_ =	shalt  }
0x7e: {  	_ =	shalt  }
0x7f: {  	_ =	shalt  }
0x80: {  	_ =	shalt  }
0x81: {  	_ =	shalt  }
0x82: {  	_ =	shalt  }
0x83: {  	_ =	shalt  }
0x84: {  	_ =	shalt  }
0x85: {  	_ =	shalt  }
0x86: {  	_ =	shalt  }
0x87: {  	_ =	shalt  }
.Lfunc_end0:
.L_simem_size_0:
called_computation.1_lowered:
.L_overlay_start_0:
0x88: {  	s2 =	sld [smem:$0x3FD9]  }
0x89: {  	s3 =	sld [smem:$0x3FFE];
	_ =	sdelay $0x1  }
0x8a: {  	s1 =	srdreg.scid  }
0x8b: {  	s0 =	sand.u32 $0x1, s1  }
0x8c: {  	s15 =	sshll.u32 s0, $0xA;
	s2 =	sadd.s32 s3, s2  }
0x8d: {  	s2 =	sadd.s32 s2, s15  }
0x8e: {  	[smem:$0x3FB3] =	sst s2  }
0x8f: {  	_ = 	snop  }
0x90: {  	s16 =	sld [smem:$0x3FD0];
	_ =	sdelay $0x2  }
0x91: {  	s4 =	simm.s32 $0xB;
	s5 =	simm.s32 $0x10;
	s2 =	sld [smem:$0x3FC9]  }
0x92: {  	[smem:s5], [sflag:s4] =	dma.local [hbm:s16], $0x1  }
0x93: {  	_ =	swait.eq [sflag:s4], $0x1  }
0x94: {  	[sflag:s4] =	ssyncset.done $0x0  }
0x95: {  	[sflag:s4] =	ssyncadd.s32 $0xFFFFFFFF  }
0x96: {  	s17 =	sld [smem:$0x11];
	(tm) =	ssettm $0x1  }
0x97: {  	s18 =	sld [smem:$0x3FFB];
	_ =	sdelay $0x3  }
0x98: {  	_ =	strace s18  }
0x99: {  	s3 =	sld [smem:$0x3FFC];
	_ =	sdelay $0x3  }
0x9a: {  	_ =	strace s3  }
0x9b: {  	s3 =	sld [smem:$0x3FFD];
	_ =	sdelay $0x3  }
0x9c: {  	_ =	strace s3  }
0x9d: {  	_ =	strace $0x8FFFFFFF  }
0x9e: {  	s19 =	sld [smem:$0x3FDB];
	_ =	sdelay $0x1  }
0x9f: {  	s20 =	simm.s32 $_scs_section_size  }
0xa0: {  	s6 =	simm.s32 $_size__tile_overlayer_lowered;
	s7 =	simm.s32 $_tile_overlayer_lowered  }
0xa1: {  	s8 =	simm.s32 $0x1BFF;
	s21 =	sshll.u32 s7, $0x1;
	s5 =	sadd.s32 s20, s19  }
0xa2: {  	s22 =	simm.s32 $0x0;
	s6 =	sshll.u32 s6, $0x1;
	s7 =	sadd.s32 s21, s5  }
0xa3: {  	[timem:s22], [sflag:s8] =	dma.local [hbm:s7], s6  }
0xa4: {  	_ =	swait.ge [sflag:s8], s6  }
0xa5: {  	s6 =	ssub.s32 $0x0, s6;
	[sflag:s8] =	ssyncset.done $0x0  }
0xa6: {  	[sflag:s8] =	ssyncadd.s32 s6;
	_ =	sdelay $0x1  }
0xa7: {  	s23 =	simm.s32 $0x1B8B  }
0xa8: {  	_ =	swait.ge [sflag:s23], $0x1  }
0xa9: {  	[sflag:s23] =	ssyncset.done $0x0  }
0xaa: {  	[sflag:s23] =	ssyncadd.s32 $0xFFFFFFFF  }
0xab: {  	s6 =	sld [smem:$0x0]  }
0xac: {  	s7 =	sand.u32 $0xFFFFFFFE, s1  }
0xad: {  	p0 =	sne.s32 s1, s7  }
0xae: {  	s7 =	sshll.u32 @p0 s7, $0xE  }
0xaf: {  	s7 =	sadd.s32 @p0 $0x11B8D, s7;
	s8 =	sshll.u32 @p0 s6, $0x11  }
0xb0: {  	s7 =	sor.u32 @p0 s8, s7  }
0xb1: {  	[sflag:s7] =	ssyncadd.remote.s32 @p0 $0x1;
	_ =	sdelay $0x1  }
0xb2: {  	s7 =	simm.s32 @p0 $0x1B8D  }
0xb3: {  	_ =	swait.eq @p0 [sflag:s7], $0x1  }
0xb4: {  	[sflag:s7] =	ssyncadd.s32 @p0 $0xFFFFFFFF  }
0xb5: {  	s8 =	sshll.u32 @!p0 s1, $0xE  }
0xb6: {  	s8 =	sor.u32 @!p0 $0x4000, s8;
	s7 =	simm.s32 @!p0 $0x1B8D  }
0xb7: {  	s6 =	sshll.u32 @!p0 s6, $0x11;
	s8 =	sadd.s32 @!p0 $0x11B8D, s8;
	_ =	swait.eq @!p0 [sflag:s7], $0x1  }
0xb8: {  	s6 =	sor.u32 @!p0 s6, s8;
	[sflag:s7] =	ssyncadd.s32 @!p0 $0xFFFFFFFF  }
0xb9: {  	s25 =	simm.s32 $0x1B8E;
	s24 =	sld [smem:$0x3FFE];
	[sflag:s6] =	ssyncadd.remote.s32 @!p0 $0x1  }
0xba: {  	s26 =	simm.s32 $execute0_lowered;
	[smem:$0x3FD2] =	sst s25  }
0xbb: {  	s7 =	sshll.u32 s26, $0x1;
	_ =	strace $0x80000049;
	[dreg:$0x1] =	wrdreg $0xFFFFFFFF  }
0xbc: {  	s28 =	simm.s32 $_size_execute0_lowered;
	s5 =	sadd.s32 s5, s7;
	[dreg:$0x0] =	wrdreg $0x0  }
0xbd: {  	s7 =	sshll.u32 s28, $0x1;
	[dreg:$0x2] =	wrdreg s5  }
0xbe: {  	[dreg:$0x3] =	wrdreg s7  }
0xbf: {  	[dreg:$0x4] =	wrdreg $0xC0  }
0xc0: {  	_ =	task [dreg:s22], $0x5FFFF  }
0xc1: {  	[dreg:$0x1] =	wrdreg $0xFFFFFFFF  }
0xc2: {  	[dreg:$0x0] =	wrdreg $0x60  }
0xc3: {  	[dreg:$0x2] =	wrdreg s2  }
0xc4: {  	[dreg:$0x3] =	wrdreg s24  }
0xc5: {  	[dreg:$0x4] =	wrdreg s17  }
0xc6: {  	[dreg:$0x5] =	wrdreg $0xA  }
0xc7: {  	_ =	task.clear_ibuf [dreg:s22], $0x6FFFF;
	_ =	strace $0x90000049  }
0xc8: {  	s29 =	simm.s32 $0xA;
	_ =	strace $0x8000004B  }
0xc9: {  	_ =	swait.ge [sflag:s29], $0x1  }
0xca: {  	[sflag:s29] =	ssyncadd.s32 $0xFFFFFFFF  }
0xcb: {  	_ =	strace $0x9000004B  }
0xcc: {  	_ =	sfence  }
0xcd: {  	s30 =	sld [smem:$0x0];
	_ =	sdelay $0x2  }
0xce: {  	s31 =	sshll.u32 s1, $0xD;
	s1 =	sshrl.u32 s1, $0x2  }
0xcf: {  	s4 =	sand.u32 $0x4000, s31;
	s1 =	sadd.s32 s1, s30  }
0xd0: {  	s0 =	sor.u32 s4, s0;
	s1 =	sshll.u32 s1, $0x11  }
0xd1: {  	s0 =	sor.u32 s1, s0  }
0xd2: {  	s0 =	sadd.s32 $0x8F2B, s0  }
0xd3: {  	[sflag:s0] =	ssyncadd.remote.s32 $0x1  }
0xd4: {  	_ =	sfence.sel $0xFFFF  }
0xd5: {  	[dreg:$0x0] =	wrdreg $0xFFFFFFFF;
	(pc) =	sbr.abs _section_cstart, $3  }
0xd6: {  	[dreg:$0x1] =	wrdreg $0xFFFFFFFF  }
0xd7: {  	_ =	task.clear_ibuf [dreg:s22], $0x2FFFF;
	_ =	strace $0x9FFFFFFF  }
0xd8: {  	(tm) =	ssettm $0x7FFFFFFF  }
0xd9: {  	_ =	shalt  }
tec
execute0_lowered:
.L_overlay_start_1:
0x0: {  	(tag) =	ssettag $0x1  }
0x1: {  	s1 =	rddreg [dreg:$0x0]  }
0x2: {  	s5 =	rddreg [dreg:$0x1]  }
0x3: {  	s3 =	rddreg [dreg:$0x2]  }
0x4: {  	s0 =	rddreg [dreg:$0x3]  }
0x5: {  	s4 =	simm.s32 $0x0;
	s2 =	stileid.u32;
	s6 =	srdreg.scid  }
0x6: {  	s13 =	simm.s32 $0x80;
	s14 =	simm.s32 $0x1400;
	s15 =	simm.s32 $0x1  }
0x7: {  	s16 =	simm.s32 $0x8;
	s17 =	simm.s32 $0x1380;
	s7 =	smul.u32 $0x271, s2  }
0x8: {  	s18 =	simm.s32 $0x0;
	[smem:$0x7FF] =	sst s4;
	s10 =	smul.u32 $0x9C400, s2  }
0x9: {  	s6 =	sand.u32 $0x1, s6;
	s12 =	smul.u32 $0x13880, s2;
	_ =	strace $0x8000004A  }
.Ltmp0:
0xa: {  	s8 =	ssub.s32 $0x2, s6;
	p0 =	seq.s32 s6, $0x1;
	(pc) =	sbr.rel .LBB2_1-.Ltmp0, $4  }
0xb: {  	s9 =	sadd.s32 s7, s5;
	s30 =	sshrl.u32 s8, $0x1;
	s5 =	sadd.s32 $0x27D600, s5  }
0xc: {  	s31 =	sshrl.u32 s10, $0x3;
	s10 =	sadd.s32 s12, s3;
	s11 =	ssub.s32 s8, s30  }
0xd: {  	s6 =	sadd.s32 $0x7600, s9;
	s7 =	sadd.s32 $0x13800, s31;
	s8 =	sadd.s32 $0x9E00, s9  }
0xe: {  	s9 =	smax.u32 s11, $0x1;
	s11 =	sadd.s32 s12, s5;
	s12 =	simm.s32 $0x2  }
.LBB2_7:
0xf: {  	s20 =	sshra.s32 s20, $0x2;
	[sflag:s12] =	ssyncadd.s32 $0xFFFFC000  }
0x10: {  	[tilespmem:s14], [sflag:$0x1] =	stream.indirect.gather [hbm4b:s1+s13], $0x80, s20, s13, $0xb8;
	[tilespmem:$0x5400] =	vst v63  }
0x11: {  	_ =	swait.ge [sflag:s15], $0x4000  }
0x12: {  	[sflag:s15] =	ssyncset.done $0x0  }
0x13: {  	[sflag:s15] =	ssyncadd.s32 $0xFFFFC000  }
0x14: {  	[hbm4b:s19+s4] =	stream.linear.scatter [tilespmem:s14], [sflag:$0x2], $0x4000, $0x38;
	[tilespmem:$0x5400] =	vst v63  }
0x15: {  	_ =	swait.ge [sflag:s12], $0x4000  }
0x16: {  	[sflag:s12] =	ssyncset.done $0x0  }
0x17: {  	s19 =	smov.u32 s5;
	[sflag:s12] =	ssyncadd.s32 $0xFFFFC000  }
.LBB2_8:
0x18: {  	[tilespmem:s14], [sflag:$0x1] =	stream.indirect.gather [hbm4b:s1+s16], $0x80, s17, s16, $0xb8;
	[tilespmem:$0x5400] =	vst v63  }
0x19: {  	s18 =	sadd.s32 $0x1, s18;
	_ =	swait.ge [sflag:s15], $0x400  }
0x1a: {  	p1 =	sne.s32 s18, s9;
	[sflag:s15] =	ssyncset.done $0x0  }
.Ltmp1:
0x1b: {  	s19 =	sadd.s32 s19, s7;
	[sflag:s15] =	ssyncadd.s32 $0xFFFFFC00;
	(pc) =	sbr.rel @!p1 .LBB2_9-.Ltmp1, $4  }
0x1c: {  	[hbm4b:s19+s4] =	stream.linear.scatter [tilespmem:s14], [sflag:$0x2], $0x400, $0x38;
	[tilespmem:$0x5400] =	vst v63  }
0x1d: {  	_ =	swait.ge [sflag:s12], $0x400  }
0x1e: {  	[sflag:s12] =	ssyncset.done $0x0  }
0x1f: {  	[sflag:s12] =	ssyncadd.s32 $0xFFFFFC00  }
.LBB2_1:
.Ltmp2:
0x20: {  	(pc) =	sbr.rel @!p0 .LBB2_2-.Ltmp2, $2  }
0x21: {  	_ =	sdelay $0x2  }
0x22: {  	s19 =	simm.s32 $0x0  }
0x23: {  	[tilespmem:s19], [sflag:$0x2] =	stream.linear.gather [hbm4b:s8+s19], $0x1388, $0x38;
	[tilespmem:$0x5400] =	vst v63  }
0x24: {  	_ =	swait.ge [sflag:s12], $0x1388  }
0x25: {  	[sflag:s12] =	ssyncset.done $0x0  }
0x26: {  	s31 =	simm.s32 $0x0;
	[sflag:s12] =	ssyncadd.s32 $0xFFFFEC78  }
0x27: {  	[tilespmem:s14], [sflag:$0x1] =	stream.indirect.gather [hbm4b:s1+s13], $0x80, s31, s13, $0xb8;
	[tilespmem:$0x5400] =	vst v63  }
0x28: {  	_ =	swait.ge [sflag:s15], $0x4000  }
0x29: {  	[sflag:s15] =	ssyncset.done $0x0  }
0x2a: {  	[sflag:s15] =	ssyncadd.s32 $0xFFFFC000  }
0x2b: {  	[hbm4b:s11+s4] =	stream.linear.scatter [tilespmem:s14], [sflag:$0x2], $0x4000, $0x38;
	[tilespmem:$0x5400] =	vst v63  }
0x2c: {  	s20 =	simm.s32 $0x200;
	_ =	swait.ge [sflag:s12], $0x4000  }
0x2d: {  	s21 =	simm.s32 $0x400;
	s19 =	sadd.s32 $0x800, s11;
	[sflag:s12] =	ssyncset.done $0x0  }
.LBB2_6:
0x2e: {  	s22 =	sshra.s32 s20, $0x2  }
0x2f: {  	[sflag:s12] =	ssyncadd.s32 $0xFFFFC000;
	s20 =	smov.u32 s21;
	s23 =	sadd.s32 $0x200, s21  }
0x30: {  	[tilespmem:s14], [sflag:$0x1] =	stream.indirect.gather [hbm4b:s1+s13], $0x80, s22, s13, $0xb8;
	[tilespmem:$0x5400] =	vst v63  }
0x31: {  	p1 =	sne.s32 s21, $0x4C00;
	_ =	swait.ge [sflag:s15], $0x4000  }
.Ltmp3:
0x32: {  	[sflag:s15] =	ssyncset.done $0x0;
	(pc) =	sbr.rel @p1 .LBB2_6-.Ltmp3, $4  }
0x33: {  	[sflag:s15] =	ssyncadd.s32 $0xFFFFC000  }
0x34: {  	[hbm4b:s19+s4] =	stream.linear.scatter [tilespmem:s14], [sflag:$0x2], $0x4000, $0x38;
	[tilespmem:$0x5400] =	vst v63  }
0x35: {  	_ =	swait.ge [sflag:s12], $0x4000  }
0x36: {  	s21 =	smov.u32 s23;
	s19 =	sadd.s32 $0x800, s19;
	[sflag:s12] =	ssyncset.done $0x0  }
.Ltmp4:
0x37: {  	_ = 	snop;
	(pc) =	sbr.rel .LBB2_7-.Ltmp4, $1  }
0x38: {  	_ =	sdelay $0x3  }
.LBB2_2:
0x39: {  	[tilespmem:s19], [sflag:$0x2] =	stream.linear.gather [hbm4b:s6+s19], $0x1388, $0x38;
	[tilespmem:$0x5400] =	vst v63  }
0x3a: {  	_ =	swait.ge [sflag:s12], $0x1388  }
0x3b: {  	[sflag:s12] =	ssyncset.done $0x0  }
0x3c: {  	s31 =	simm.s32 $0x0;
	[sflag:s12] =	ssyncadd.s32 $0xFFFFEC78  }
0x3d: {  	[tilespmem:s14], [sflag:$0x1] =	stream.indirect.gather [hbm4b:s1+s13], $0x80, s31, s13, $0xb8;
	[tilespmem:$0x5400] =	vst v63  }
0x3e: {  	_ =	swait.ge [sflag:s15], $0x4000  }
0x3f: {  	[sflag:s15] =	ssyncset.done $0x0  }
0x40: {  	[sflag:s15] =	ssyncadd.s32 $0xFFFFC000  }
0x41: {  	[hbm4b:s10+s4] =	stream.linear.scatter [tilespmem:s14], [sflag:$0x2], $0x4000, $0x38;
	[tilespmem:$0x5400] =	vst v63  }
0x42: {  	s20 =	simm.s32 $0x200;
	_ =	swait.ge [sflag:s12], $0x4000  }
0x43: {  	s21 =	simm.s32 $0x400;
	s19 =	sadd.s32 $0x800, s10;
	[sflag:s12] =	ssyncset.done $0x0  }
.LBB2_3:
0x44: {  	s22 =	sshra.s32 s20, $0x2  }
0x45: {  	[sflag:s12] =	ssyncadd.s32 $0xFFFFC000;
	s20 =	smov.u32 s21;
	s23 =	sadd.s32 $0x200, s21  }
0x46: {  	[tilespmem:s14], [sflag:$0x1] =	stream.indirect.gather [hbm4b:s1+s13], $0x80, s22, s13, $0xb8;
	[tilespmem:$0x5400] =	vst v63  }
0x47: {  	p1 =	seq.s32 s21, $0x4C00;
	_ =	swait.ge [sflag:s15], $0x4000  }
.Ltmp5:
0x48: {  	[sflag:s15] =	ssyncset.done $0x0;
	(pc) =	sbr.rel @!p1 .LBB2_3-.Ltmp5, $4  }
0x49: {  	[sflag:s15] =	ssyncadd.s32 $0xFFFFC000  }
0x4a: {  	[hbm4b:s19+s4] =	stream.linear.scatter [tilespmem:s14], [sflag:$0x2], $0x4000, $0x38;
	[tilespmem:$0x5400] =	vst v63  }
0x4b: {  	_ =	swait.ge [sflag:s12], $0x4000  }
0x4c: {  	s21 =	smov.u32 s23;
	s19 =	sadd.s32 $0x800, s19;
	[sflag:s12] =	ssyncset.done $0x0  }
0x4d: {  	s20 =	sshra.s32 s20, $0x2;
	[sflag:s12] =	ssyncadd.s32 $0xFFFFC000  }
0x4e: {  	[tilespmem:s14], [sflag:$0x1] =	stream.indirect.gather [hbm4b:s1+s13], $0x80, s20, s13, $0xb8;
	[tilespmem:$0x5400] =	vst v63  }
0x4f: {  	_ =	swait.ge [sflag:s15], $0x4000  }
0x50: {  	[sflag:s15] =	ssyncset.done $0x0  }
.Ltmp6:
0x51: {  	[sflag:s15] =	ssyncadd.s32 $0xFFFFC000;
	(pc) =	sbr.rel .LBB2_8-.Ltmp6, $4  }
0x52: {  	[hbm4b:s19+s4] =	stream.linear.scatter [tilespmem:s14], [sflag:$0x2], $0x4000, $0x38;
	[tilespmem:$0x5400] =	vst v63  }
0x53: {  	_ =	swait.ge [sflag:s12], $0x4000  }
0x54: {  	[sflag:s12] =	ssyncset.done $0x0  }
0x55: {  	s19 =	smov.u32 s3;
	[sflag:s12] =	ssyncadd.s32 $0xFFFFC000  }
.LBB2_9:
0x56: {  	_ =	sfence.sel $0x180000  }
0x57: {  	[bflag:$0x0] =	sbarrier.arrive $0xFFFF  }
0x58: {  	p0 =	sne.s32 s2, $0x0;
	_ =	strace $0x9000004A  }
0x59: {  	s0 =	sadd.s32 @!p0 $0x100000, s0;
	[bflag:$0x2] =	sbarrier.arrive $0xFFFF  }
0x5a: {  	[sflag:s0] =	ssyncadd.tile.s32 @!p0 $0x1;
	_ =	shalt  }
.Lfunc_end2:
_tile_overlayer_lowered:
.L_overlay_start_2:
0x5b: {  	(tag) =	ssettag $0x2  }
0x5c: {  	s0 =	rddreg [dreg:$0x0];
	s2 =	stileid.u32  }
0x5d: {  	s1 =	rddreg [dreg:$0x1];
	p0 =	sne.s32 s2, $0x0  }
0x5e: {  	s3 =	rddreg [dreg:$0x2];
	[bflag:$0x3] =	sbarrier.arrive $0xFFFF;
	s2 =	simm.s32 @!p0 $0x1C02  }
0x5f: {  	[timem:s3], [sflag:s2] =	dma.local @!p0 [hbm:s0], s1  }
0x60: {  	s0 =	simm.s32 @!p0 $0x2  }
0x61: {  	_ =	swait.ge @!p0 [sflag:s0], s1  }
0x62: {  	s1 =	ssub.s32 @!p0 $0x0, s1;
	[sflag:s0] =	ssyncset.done @!p0 $0x0  }
0x63: {  	[sflag:s0] =	ssyncadd.s32 @!p0 s1  }
0x64: {  	[bflag:$0x3] =	sbarrier.arrive $0xFFFF  }
0x65: {  	_ =	shalt  }

// kernel: kernel.8.cloned.1.call-start
scs
__scs_entry_jumppad:
0x0: {  	(pc) =	sbr.rel $0x88, $3  }
0x1: {  	(tag) =	ssettag $0x0;
	lr =	simm.s32 $0x1  }
0x2: {  	[smem:$0x3F8C] =	sst lr;
	_ =	strace $0xD0000000  }
0x3: {  	_ = 	snop  }
0x4: {  	_ = 	snop  }
0x5: {  	_ = 	snop  }
0x6: {  	_ = 	snop  }
0x7: {  	_ = 	snop  }
__scs_overlays_trampoline_lowered:
0x8: {  	[smem:$0x3F9B] =	sst s0  }
0x9: {  	[smem:$0x3F9C] =	sst s1  }
0xa: {  	[smem:$0x3F9D] =	sst s2  }
0xb: {  	[smem:$0x3F9E] =	sst s3  }
0xc: {  	[smem:$0x3F9F] =	sst s4  }
0xd: {  	[smem:$0x3FA0] =	sst s5  }
0xe: {  	[smem:$0x3FA1] =	sst s6  }
0xf: {  	[smem:$0x3FA2] =	sst s7  }
0x10: {  	[smem:$0x3FA3] =	sst s8  }
0x11: {  	[smem:$0x3FA4] =	sst s9;
	s0 =	simm.s32 @!p0 $0x0  }
0x12: {  	s1 =	sld [smem:$0x3F8A];
	s0 =	simm.s32 @p0 $0x1  }
0x13: {  	[smem:$0x3FA5] =	sst s0;
	s0 =	simm.s32 @!p1 $0x0  }
0x14: {  	s2 =	sld [smem:$0x3F89];
	s0 =	simm.s32 @p1 $0x1  }
0x15: {  	[smem:$0x3FA6] =	sst s0;
	s0 =	simm.s32 @!p2 $0x0  }
0x16: {  	s3 =	sld [smem:$0x3FDB];
	s0 =	simm.s32 @p2 $0x1  }
0x17: {  	s4 =	simm.s32 $0x1BF5;
	[smem:$0x3FA8] =	sst s0  }
0x18: {  	s0 =	sld [smem:$0x3F8B];
	_ =	swait.ge [sflag:s4], $0x0  }
0x19: {  	s7 =	sld [smem:$0x3F8C]  }
0x1a: {  	s8 =	sadd.s32 $0xFFFFE003, lr  }
0x1b: {  	s9 =	sadd.s32 $0xFFFFFEF7, lr;
	s5 =	simm.s32 $0xFFFFFFFF;
	p2 =	slt.u32 s8, $0xFFFFF086  }
0x1c: {  	p1 =	slt.u32 s9, $0xF7A;
	s5 =	simm.s32 @!p2 $0x0  }
0x1d: {  	s5 =	simm.s32 @p1 $0x1;
	p0 =	seq.s32 s7, s2  }
0x1e: {  	s7 =	smul.u32 @!p0 $0xF7A, s2;
	p2 =	seq.s32 @!p0 s5, $0x0  }
0x1f: {  	s9 =	smul.u32 $0xF7A, s1;
	s8 =	simm.s32 @!p0 $0x1BF5;
	p2 =	por !p2, p0  }
0x20: {  	[sflag:s8] =	ssyncset.s32 @!p0 $0xFFFFF086;
	s6 =	sadd.s32 @!p0 s3, s7;
	s7 =	simm.s32 @!p0 $0x108  }
0x21: {  	s3 =	sadd.s32 s3, s9;
	s6 =	sadd.s32 @!p0 $0x88, s6;
	s7 =	simm.s32 @p2 $0x1082  }
0x22: {  	[simem:s7], [sflag:s8] =	dma.local @!p0 [hbm:s6], $0xF7A  }
0x23: {  	s9 =	sor.u32 $0xD0000000, s2;
	s6 =	simm.s32 $0x108;
	_ =	swait.ge @!p0 [sflag:s8], $0x0  }
0x24: {  	s3 =	sadd.s32 $0x88, s3;
	s6 =	simm.s32 @!p1 $0x1082;
	[sflag:s4] =	ssyncset.s32 $0xFFFFF086  }
0x25: {  	[simem:s6], [sflag:s4] =	dma.local [hbm:s3], $0xF7A  }
0x26: {  	[smem:$0x3F8C] =	sst s1;
	(tag) =	ssettag s2;
	_ =	strace s9  }
0x27: {  	s1 =	sld [smem:$0x3F9C]  }
0x28: {  	s2 =	sld [smem:$0x3F9D]  }
0x29: {  	s4 =	sld [smem:$0x3F9F]  }
0x2a: {  	p0 =	seq.s32 s5, $0x0;
	s5 =	sld [smem:$0x3FA0]  }
0x2b: {  	s6 =	sld [smem:$0x3FA1]  }
0x2c: {  	s7 =	sld [smem:$0x3FA2]  }
0x2d: {  	s3 =	simm.s32 $0x108;
	s8 =	sld [smem:$0x3FA3]  }
0x2e: {  	s3 =	simm.s32 @!p0 $0x1082;
	s9 =	sld [smem:$0x3FA4]  }
0x2f: {  	lr =	sadd.s32 s0, s3;
	s0 =	sld [smem:$0x3F9B]  }
0x30: {  	s3 =	sld [smem:$0x3F9E]  }
0x31: {  	[smem:$0x3FA7] =	sst s10  }
0x32: {  	s10 =	sld [smem:$0x3FA5];
	_ =	sdelay $0x3  }
0x33: {  	p0 =	seq.s32 s10, $0x1;
	s10 =	sld [smem:$0x3FA7];
	_ =	sdelay $0x3  }
0x34: {  	[smem:$0x3FA7] =	sst s10  }
0x35: {  	s10 =	sld [smem:$0x3FA6];
	_ =	sdelay $0x3  }
0x36: {  	p1 =	seq.s32 s10, $0x1;
	s10 =	sld [smem:$0x3FA7];
	_ =	sdelay $0x3  }
0x37: {  	[smem:$0x3FA7] =	sst s10  }
0x38: {  	s10 =	sld [smem:$0x3FA8]  }
0x39: {  	_ = 	snop;
	(pc) =	sbr.ind lr, $3  }
0x3a: {  	_ = 	snop  }
0x3b: {  	_ = 	snop  }
0x3c: {  	p2 =	seq.s32 s10, $0x1;
	s10 =	sld [smem:$0x3FA7]  }
0x3d: {  	_ =	shalt  }
0x3e: {  	_ =	shalt  }
0x3f: {  	_ =	shalt  }
0x40: {  	_ =	shalt  }
0x41: {  	_ =	shalt  }
0x42: {  	_ =	shalt  }
0x43: {  	_ =	shalt  }
0x44: {  	_ =	shalt  }
0x45: {  	_ =	shalt  }
0x46: {  	_ =	shalt  }
0x47: {  	_ =	shalt  }
0x48: {  	_ =	shalt  }
0x49: {  	_ =	shalt  }
0x4a: {  	_ =	shalt  }
0x4b: {  	_ =	shalt  }
0x4c: {  	_ =	shalt  }
0x4d: {  	_ =	shalt  }
0x4e: {  	_ =	shalt  }
0x4f: {  	_ =	shalt  }
0x50: {  	_ =	shalt  }
0x51: {  	_ =	shalt  }
0x52: {  	_ =	shalt  }
0x53: {  	_ =	shalt  }
0x54: {  	_ =	shalt  }
0x55: {  	_ =	shalt  }
0x56: {  	_ =	shalt  }
0x57: {  	_ =	shalt  }
0x58: {  	_ =	shalt  }
0x59: {  	_ =	shalt  }
0x5a: {  	_ =	shalt  }
0x5b: {  	_ =	shalt  }
0x5c: {  	_ =	shalt  }
0x5d: {  	_ =	shalt  }
0x5e: {  	_ =	shalt  }
0x5f: {  	_ =	shalt  }
0x60: {  	_ =	shalt  }
0x61: {  	_ =	shalt  }
0x62: {  	_ =	shalt  }
0x63: {  	_ =	shalt  }
0x64: {  	_ =	shalt  }
0x65: {  	_ =	shalt  }
0x66: {  	_ =	shalt  }
0x67: {  	_ =	shalt  }
0x68: {  	_ =	shalt  }
0x69: {  	_ =	shalt  }
0x6a: {  	_ =	shalt  }
0x6b: {  	_ =	shalt  }
0x6c: {  	_ =	shalt  }
0x6d: {  	_ =	shalt  }
0x6e: {  	_ =	shalt  }
0x6f: {  	_ =	shalt  }
0x70: {  	_ =	shalt  }
0x71: {  	_ =	shalt  }
0x72: {  	_ =	shalt  }
0x73: {  	_ =	shalt  }
0x74: {  	_ =	shalt  }
0x75: {  	_ =	shalt  }
0x76: {  	_ =	shalt  }
0x77: {  	_ =	shalt  }
0x78: {  	_ =	shalt  }
0x79: {  	_ =	shalt  }
0x7a: {  	_ =	shalt  }
0x7b: {  	_ =	shalt  }
0x7c: {  	_ =	shalt  }
0x7d: {  	_ =	shalt  }
0x7e: {  	_ =	shalt  }
0x7f: {  	_ =	shalt  }
0x80: {  	_ =	shalt  }
0x81: {  	_ =	shalt  }
0x82: {  	_ =	shalt  }
0x83: {  	_ =	shalt  }
0x84: {  	_ =	shalt  }
0x85: {  	_ =	shalt  }
0x86: {  	_ =	shalt  }
0x87: {  	_ =	shalt  }
.Lfunc_end0:
.L_simem_size_0:
called_computation_lowered:
.L_overlay_start_0:
0x88: {  	s2 =	sld [smem:$0x3FD9]  }
0x89: {  	s3 =	sld [smem:$0x3FFE];
	_ =	sdelay $0x1  }
0x8a: {  	s1 =	srdreg.scid  }
0x8b: {  	s0 =	sand.u32 $0x1, s1  }
0x8c: {  	s14 =	sshll.u32 s0, $0xA;
	s2 =	sadd.s32 s3, s2  }
0x8d: {  	s2 =	sadd.s32 s2, s14  }
0x8e: {  	[smem:$0x3FB3] =	sst s2  }
0x8f: {  	_ = 	snop  }
0x90: {  	s2 =	sld [smem:$0x3FD0];
	_ =	sdelay $0x2  }
0x91: {  	s4 =	simm.s32 $0xB;
	s5 =	simm.s32 $0x10;
	s15 =	sld [smem:$0x3FC9]  }
0x92: {  	[smem:s5], [sflag:s4] =	dma.local [hbm:s2], $0x1  }
0x93: {  	_ =	swait.eq [sflag:s4], $0x1  }
0x94: {  	[sflag:s4] =	ssyncset.done $0x0  }
0x95: {  	[sflag:s4] =	ssyncadd.s32 $0xFFFFFFFF  }
0x96: {  	s16 =	sld [smem:$0x10];
	(tm) =	ssettm $0x1  }
0x97: {  	s17 =	sld [smem:$0x3FFB];
	_ =	sdelay $0x3  }
0x98: {  	_ =	strace s17  }
0x99: {  	s4 =	sld [smem:$0x3FFC];
	_ =	sdelay $0x3  }
0x9a: {  	_ =	strace s4  }
0x9b: {  	s4 =	sld [smem:$0x3FFD];
	_ =	sdelay $0x3  }
0x9c: {  	_ =	strace s4  }
0x9d: {  	_ =	strace $0x8FFFFFFF  }
0x9e: {  	s18 =	sld [smem:$0x3FDB];
	_ =	sdelay $0x1  }
0x9f: {  	s19 =	simm.s32 $_scs_section_size  }
0xa0: {  	s6 =	simm.s32 $_size__tile_overlayer_lowered;
	s7 =	simm.s32 $_tile_overlayer_lowered  }
0xa1: {  	s22 =	simm.s32 $0x1BFF;
	s21 =	sshll.u32 s7, $0x1;
	s4 =	sadd.s32 s19, s18  }
0xa2: {  	s8 =	simm.s32 $0x0;
	s20 =	sshll.u32 s6, $0x1;
	s6 =	sadd.s32 s21, s4  }
0xa3: {  	[timem:s8], [sflag:s22] =	dma.local [hbm:s6], s20  }
0xa4: {  	_ =	swait.ge [sflag:s22], s20  }
0xa5: {  	s5 =	ssub.s32 $0x0, s20;
	[sflag:s22] =	ssyncset.done $0x0  }
0xa6: {  	[sflag:s22] =	ssyncadd.s32 s5;
	_ =	sdelay $0x1  }
0xa7: {  	s23 =	simm.s32 $0x1B8B  }
0xa8: {  	_ =	swait.ge [sflag:s23], $0x1  }
0xa9: {  	[sflag:s23] =	ssyncset.done $0x0  }
0xaa: {  	s25 =	simm.s32 $0x1B8E;
	s24 =	sld [smem:$0x3FFE];
	[sflag:s23] =	ssyncadd.s32 $0xFFFFFFFF  }
0xab: {  	s26 =	simm.s32 $execute0_lowered;
	[smem:$0x3FD2] =	sst s25  }
0xac: {  	s6 =	sshll.u32 s26, $0x1;
	_ =	strace $0x80000046;
	[dreg:$0x1] =	wrdreg $0xFFFFFFFF  }
0xad: {  	s28 =	simm.s32 $_size_execute0_lowered;
	s4 =	sadd.s32 s4, s6;
	[dreg:$0x0] =	wrdreg $0x0  }
0xae: {  	s6 =	sshll.u32 s28, $0x1;
	[dreg:$0x2] =	wrdreg s4  }
0xaf: {  	[dreg:$0x3] =	wrdreg s6  }
0xb0: {  	[dreg:$0x4] =	wrdreg $0xC0  }
0xb1: {  	_ =	task [dreg:s8], $0x5FFFF  }
0xb2: {  	[dreg:$0x1] =	wrdreg $0xFFFFFFFF  }
0xb3: {  	[dreg:$0x0] =	wrdreg $0x60  }
0xb4: {  	[dreg:$0x2] =	wrdreg s15  }
0xb5: {  	[dreg:$0x3] =	wrdreg s24  }
0xb6: {  	[dreg:$0x4] =	wrdreg s16  }
0xb7: {  	[dreg:$0x5] =	wrdreg $0x9  }
0xb8: {  	_ =	task.clear_ibuf [dreg:s8], $0x6FFFF;
	_ =	strace $0x90000046  }
0xb9: {  	s29 =	simm.s32 $0x9;
	_ =	strace $0x80000048  }
0xba: {  	_ =	swait.ge [sflag:s29], $0x1  }
0xbb: {  	[sflag:s29] =	ssyncadd.s32 $0xFFFFFFFF  }
0xbc: {  	_ =	strace $0x90000048  }
0xbd: {  	_ =	sfence  }
0xbe: {  	s30 =	sld [smem:$0x0];
	_ =	sdelay $0x2  }
0xbf: {  	s31 =	sshll.u32 s1, $0xD;
	s1 =	sshrl.u32 s1, $0x2  }
0xc0: {  	s3 =	sand.u32 $0x4000, s31;
	s1 =	sadd.s32 s1, s30  }
0xc1: {  	s0 =	sor.u32 s3, s0;
	s1 =	sshll.u32 s1, $0x11  }
0xc2: {  	s0 =	sor.u32 s1, s0  }
0xc3: {  	s0 =	sadd.s32 $0x8F2B, s0  }
0xc4: {  	[sflag:s0] =	ssyncadd.remote.s32 $0x1  }
0xc5: {  	_ =	sfence.sel $0xFFFF  }
0xc6: {  	[dreg:$0x0] =	wrdreg $0xFFFFFFFF;
	(pc) =	sbr.abs _section_cstart, $3  }
0xc7: {  	[dreg:$0x1] =	wrdreg $0xFFFFFFFF  }
0xc8: {  	_ =	task.clear_ibuf [dreg:s8], $0x2FFFF;
	_ =	strace $0x9FFFFFFF  }
0xc9: {  	(tm) =	ssettm $0x7FFFFFFF  }
tec
execute0_lowered:
.L_overlay_start_1:
0x0: {  	(tag) =	ssettag $0x1  }
0x1: {  	s2 =	rddreg [dreg:$0x0]  }
0x2: {  	s5 =	rddreg [dreg:$0x1]  }
0x3: {  	s8 =	rddreg [dreg:$0x2]  }
0x4: {  	s0 =	rddreg [dreg:$0x3];
	s1 =	stileid.u32  }
0x5: {  	s3 =	simm.s32 $0x0;
	s4 =	srdreg.scid;
	s13 =	simm.s32 $0x80  }
0x6: {  	s14 =	simm.s32 $0x1400;
	s15 =	simm.s32 $0x1;
	s16 =	simm.s32 $0x8  }
0x7: {  	s17 =	simm.s32 $0x1380;
	s18 =	simm.s32 $0x0;
	s9 =	smul.u32 $0x271, s1  }
0x8: {  	[smem:$0x7FF] =	sst s3;
	s6 =	sand.u32 $0x1, s4;
	s12 =	smul.u32 $0x9C400, s1  }
0x9: {  	s4 =	sadd.s32 $0xC600, s5;
	s31 =	smul.u32 $0x13880, s1;
	_ =	strace $0x80000047  }
.Ltmp0:
0xa: {  	s10 =	ssub.s32 $0x2, s6;
	p0 =	seq.s32 s6, $0x1;
	(pc) =	sbr.rel .LBB2_1-.Ltmp0, $4  }
0xb: {  	s7 =	sadd.s32 s9, s5;
	s11 =	sshrl.u32 s10, $0x1;
	s5 =	sadd.s32 $0x144E00, s5  }
0xc: {  	s30 =	sshrl.u32 s12, $0x3;
	s8 =	sadd.s32 s8, s9;
	s12 =	simm.s32 $0x2  }
0xd: {  	s10 =	ssub.s32 s10, s11;
	s6 =	sadd.s32 $0x4E00, s7;
	s7 =	sadd.s32 $0x13800, s30  }
0xe: {  	s11 =	sadd.s32 s31, s5;
	s9 =	smax.u32 s10, $0x1;
	s10 =	sadd.s32 s31, s4  }
.LBB2_7:
0xf: {  	s20 =	sshra.s32 s20, $0x2;
	[sflag:s12] =	ssyncadd.s32 $0xFFFFC000  }
0x10: {  	[tilespmem:s14], [sflag:$0x1] =	stream.indirect.gather [hbm4b:s2+s13], $0x80, s20, s13, $0xb8;
	[tilespmem:$0x5400] =	vst v63  }
0x11: {  	_ =	swait.ge [sflag:s15], $0x4000  }
0x12: {  	[sflag:s15] =	ssyncset.done $0x0  }
0x13: {  	[sflag:s15] =	ssyncadd.s32 $0xFFFFC000  }
0x14: {  	[hbm4b:s19+s3] =	stream.linear.scatter [tilespmem:s14], [sflag:$0x2], $0x4000, $0x38;
	[tilespmem:$0x5400] =	vst v63  }
0x15: {  	_ =	swait.ge [sflag:s12], $0x4000  }
0x16: {  	[sflag:s12] =	ssyncset.done $0x0  }
0x17: {  	s19 =	smov.u32 s5;
	[sflag:s12] =	ssyncadd.s32 $0xFFFFC000  }
.LBB2_8:
0x18: {  	[tilespmem:s14], [sflag:$0x1] =	stream.indirect.gather [hbm4b:s2+s16], $0x80, s17, s16, $0xb8;
	[tilespmem:$0x5400] =	vst v63  }
0x19: {  	s18 =	sadd.s32 $0x1, s18;
	_ =	swait.ge [sflag:s15], $0x400  }
0x1a: {  	p1 =	sne.s32 s18, s9;
	[sflag:s15] =	ssyncset.done $0x0  }
.Ltmp1:
0x1b: {  	s19 =	sadd.s32 s19, s7;
	[sflag:s15] =	ssyncadd.s32 $0xFFFFFC00;
	(pc) =	sbr.rel @!p1 .LBB2_9-.Ltmp1, $4  }
0x1c: {  	[hbm4b:s19+s3] =	stream.linear.scatter [tilespmem:s14], [sflag:$0x2], $0x400, $0x38;
	[tilespmem:$0x5400] =	vst v63  }
0x1d: {  	_ =	swait.ge [sflag:s12], $0x400  }
0x1e: {  	[sflag:s12] =	ssyncset.done $0x0  }
0x1f: {  	[sflag:s12] =	ssyncadd.s32 $0xFFFFFC00  }
.LBB2_1:
.Ltmp2:
0x20: {  	(pc) =	sbr.rel @!p0 .LBB2_2-.Ltmp2, $2  }
0x21: {  	_ =	sdelay $0x2  }
0x22: {  	s19 =	simm.s32 $0x0  }
0x23: {  	[tilespmem:s19], [sflag:$0x2] =	stream.linear.gather [hbm4b:s8+s19], $0x1388, $0x38;
	[tilespmem:$0x5400] =	vst v63  }
0x24: {  	_ =	swait.ge [sflag:s12], $0x1388  }
0x25: {  	[sflag:s12] =	ssyncset.done $0x0  }
0x26: {  	s31 =	simm.s32 $0x0;
	[sflag:s12] =	ssyncadd.s32 $0xFFFFEC78  }
0x27: {  	[tilespmem:s14], [sflag:$0x1] =	stream.indirect.gather [hbm4b:s2+s13], $0x80, s31, s13, $0xb8;
	[tilespmem:$0x5400] =	vst v63  }
0x28: {  	_ =	swait.ge [sflag:s15], $0x4000  }
0x29: {  	[sflag:s15] =	ssyncset.done $0x0  }
0x2a: {  	[sflag:s15] =	ssyncadd.s32 $0xFFFFC000  }
0x2b: {  	[hbm4b:s11+s3] =	stream.linear.scatter [tilespmem:s14], [sflag:$0x2], $0x4000, $0x38;
	[tilespmem:$0x5400] =	vst v63  }
0x2c: {  	s20 =	simm.s32 $0x200;
	_ =	swait.ge [sflag:s12], $0x4000  }
0x2d: {  	s21 =	simm.s32 $0x400;
	s19 =	sadd.s32 $0x800, s11;
	[sflag:s12] =	ssyncset.done $0x0  }
.LBB2_6:
0x2e: {  	s22 =	sshra.s32 s20, $0x2  }
0x2f: {  	[sflag:s12] =	ssyncadd.s32 $0xFFFFC000;
	s20 =	smov.u32 s21;
	s23 =	sadd.s32 $0x200, s21  }
0x30: {  	[tilespmem:s14], [sflag:$0x1] =	stream.indirect.gather [hbm4b:s2+s13], $0x80, s22, s13, $0xb8;
	[tilespmem:$0x5400] =	vst v63  }
0x31: {  	p1 =	sne.s32 s21, $0x4C00;
	_ =	swait.ge [sflag:s15], $0x4000  }
.Ltmp3:
0x32: {  	[sflag:s15] =	ssyncset.done $0x0;
	(pc) =	sbr.rel @p1 .LBB2_6-.Ltmp3, $4  }
0x33: {  	[sflag:s15] =	ssyncadd.s32 $0xFFFFC000  }
0x34: {  	[hbm4b:s19+s3] =	stream.linear.scatter [tilespmem:s14], [sflag:$0x2], $0x4000, $0x38;
	[tilespmem:$0x5400] =	vst v63  }
0x35: {  	_ =	swait.ge [sflag:s12], $0x4000  }
0x36: {  	s21 =	smov.u32 s23;
	s19 =	sadd.s32 $0x800, s19;
	[sflag:s12] =	ssyncset.done $0x0  }
.Ltmp4:
0x37: {  	_ = 	snop;
	(pc) =	sbr.rel .LBB2_7-.Ltmp4, $1  }
0x38: {  	_ =	sdelay $0x3  }
.LBB2_2:
0x39: {  	[tilespmem:s19], [sflag:$0x2] =	stream.linear.gather [hbm4b:s6+s19], $0x1388, $0x38;
	[tilespmem:$0x5400] =	vst v63  }
0x3a: {  	_ =	swait.ge [sflag:s12], $0x1388  }
0x3b: {  	[sflag:s12] =	ssyncset.done $0x0  }
0x3c: {  	s31 =	simm.s32 $0x0;
	[sflag:s12] =	ssyncadd.s32 $0xFFFFEC78  }
0x3d: {  	[tilespmem:s14], [sflag:$0x1] =	stream.indirect.gather [hbm4b:s2+s13], $0x80, s31, s13, $0xb8;
	[tilespmem:$0x5400] =	vst v63  }
0x3e: {  	_ =	swait.ge [sflag:s15], $0x4000  }
0x3f: {  	[sflag:s15] =	ssyncset.done $0x0  }
0x40: {  	[sflag:s15] =	ssyncadd.s32 $0xFFFFC000  }
0x41: {  	[hbm4b:s10+s3] =	stream.linear.scatter [tilespmem:s14], [sflag:$0x2], $0x4000, $0x38;
	[tilespmem:$0x5400] =	vst v63  }
0x42: {  	s20 =	simm.s32 $0x200;
	_ =	swait.ge [sflag:s12], $0x4000  }
0x43: {  	s21 =	simm.s32 $0x400;
	s19 =	sadd.s32 $0x800, s10;
	[sflag:s12] =	ssyncset.done $0x0  }
.LBB2_3:
0x44: {  	s22 =	sshra.s32 s20, $0x2  }
0x45: {  	[sflag:s12] =	ssyncadd.s32 $0xFFFFC000;
	s20 =	smov.u32 s21;
	s23 =	sadd.s32 $0x200, s21  }
0x46: {  	[tilespmem:s14], [sflag:$0x1] =	stream.indirect.gather [hbm4b:s2+s13], $0x80, s22, s13, $0xb8;
	[tilespmem:$0x5400] =	vst v63  }
0x47: {  	p1 =	seq.s32 s21, $0x4C00;
	_ =	swait.ge [sflag:s15], $0x4000  }
.Ltmp5:
0x48: {  	[sflag:s15] =	ssyncset.done $0x0;
	(pc) =	sbr.rel @!p1 .LBB2_3-.Ltmp5, $4  }
0x49: {  	[sflag:s15] =	ssyncadd.s32 $0xFFFFC000  }
0x4a: {  	[hbm4b:s19+s3] =	stream.linear.scatter [tilespmem:s14], [sflag:$0x2], $0x4000, $0x38;
	[tilespmem:$0x5400] =	vst v63  }
0x4b: {  	_ =	swait.ge [sflag:s12], $0x4000  }
0x4c: {  	s21 =	smov.u32 s23;
	s19 =	sadd.s32 $0x800, s19;
	[sflag:s12] =	ssyncset.done $0x0  }
0x4d: {  	s20 =	sshra.s32 s20, $0x2;
	[sflag:s12] =	ssyncadd.s32 $0xFFFFC000  }
0x4e: {  	[tilespmem:s14], [sflag:$0x1] =	stream.indirect.gather [hbm4b:s2+s13], $0x80, s20, s13, $0xb8;
	[tilespmem:$0x5400] =	vst v63  }
0x4f: {  	_ =	swait.ge [sflag:s15], $0x4000  }
0x50: {  	[sflag:s15] =	ssyncset.done $0x0  }
.Ltmp6:
0x51: {  	[sflag:s15] =	ssyncadd.s32 $0xFFFFC000;
	(pc) =	sbr.rel .LBB2_8-.Ltmp6, $4  }
0x52: {  	[hbm4b:s19+s3] =	stream.linear.scatter [tilespmem:s14], [sflag:$0x2], $0x4000, $0x38;
	[tilespmem:$0x5400] =	vst v63  }
0x53: {  	_ =	swait.ge [sflag:s12], $0x4000  }
0x54: {  	[sflag:s12] =	ssyncset.done $0x0  }
0x55: {  	s19 =	smov.u32 s4;
	[sflag:s12] =	ssyncadd.s32 $0xFFFFC000  }
.LBB2_9:
0x56: {  	_ =	sfence.sel $0x180000  }
0x57: {  	[bflag:$0x0] =	sbarrier.arrive $0xFFFF  }
0x58: {  	p0 =	sne.s32 s1, $0x0;
	_ =	strace $0x90000047  }
0x59: {  	s0 =	sadd.s32 @!p0 $0x100000, s0;
	[bflag:$0x2] =	sbarrier.arrive $0xFFFF  }
0x5a: {  	[sflag:s0] =	ssyncadd.tile.s32 @!p0 $0x1;
	_ =	shalt  }
.Lfunc_end2:
_tile_overlayer_lowered:
.L_overlay_start_2:
0x5b: {  	(tag) =	ssettag $0x2  }
0x5c: {  	s0 =	rddreg [dreg:$0x0];
	s2 =	stileid.u32  }
0x5d: {  	s1 =	rddreg [dreg:$0x1];
	p0 =	sne.s32 s2, $0x0  }
0x5e: {  	s3 =	rddreg [dreg:$0x2];
	[bflag:$0x3] =	sbarrier.arrive $0xFFFF;
	s2 =	simm.s32 @!p0 $0x1C02  }
0x5f: {  	[timem:s3], [sflag:s2] =	dma.local @!p0 [hbm:s0], s1  }
0x60: {  	s0 =	simm.s32 @!p0 $0x2  }
0x61: {  	_ =	swait.ge @!p0 [sflag:s0], s1  }
0x62: {  	s1 =	ssub.s32 @!p0 $0x0, s1;
	[sflag:s0] =	ssyncset.done @!p0 $0x0  }
0x63: {  	[sflag:s0] =	ssyncadd.s32 @!p0 s1  }
0x64: {  	[bflag:$0x3] =	sbarrier.arrive $0xFFFF  }
0x65: {  	_ =	shalt  }

</sc_bundles>
